<compile_context>
chip_gen: v7x
topology: tpu7x:2x2x1
jax: 0.10.2.dev20260603
libtpu: 0.0.44.dev20260713+nightly
codegen_flags: <defaults>
</compile_context>

<pallas_src>
import functools

import jax
import jax.numpy as jnp
from jax import lax
from jax.experimental import pallas as pl
from jax.experimental.pallas import tpu as pltpu
from jax.experimental.pallas import tpu_sc as plsc

_N = 10000
_D = 128
_H = 256
_NP = 10112
_CH = 128
_IC = 40
_NSC = 2
_NTILE = 16
_RPT = _NP // _NTILE
_BLK = 2000


def _sc_mesh():
    return plsc.VectorSubcoreMesh(core_axis_name="c", subcore_axis_name="s")


def _agg_loop(tab_hbm, src_hbm, dst_hbm, acc_sh, src_v, dst_v, rows_v,
              sem_g, sem_s, tile_row0, n_rows_tile, src_plane):

    def gwait(b):
        pltpu.make_async_copy(tab_hbm.at[src_v.at[0]], rows_v.at[b],
                              sem_g.at[b]).wait()

    def swait(b):
        pltpu.make_async_copy(tab_hbm.at[src_v.at[0]], rows_v.at[b],
                              sem_s.at[b]).wait()

    def outer(k, carry):
        base = tile_row0 + k * _IC
        pltpu.sync_copy(src_hbm.at[pl.ds(base, _IC)], src_v)
        pltpu.sync_copy(dst_hbm.at[pl.ds(base, _IC)], dst_v)
        if src_plane is not None:
            def xform(i, carry3):
                row = src_v.at[lax.div(i, 8)]
                sl = pl.ds(lax.rem(i, 8) * 16, 16)
                row[sl] = row[sl] * 2 + src_plane
                return carry3

            lax.fori_loop(0, _IC * 8, xform, 0)
        pltpu.async_copy(tab_hbm.at[src_v.at[0]], rows_v.at[0], sem_g.at[0])

        def inner(j, carry2):
            p = lax.rem(j, 2)
            q = 1 - p

            @pl.when(j >= 1)
            def _():
                swait(q)

            @pl.when(j + 1 < _IC)
            def _():
                pltpu.async_copy(tab_hbm.at[src_v.at[j + 1]], rows_v.at[q],
                                 sem_g.at[q])

            gwait(p)
            pltpu.async_copy(rows_v.at[p], acc_sh.at[dst_v.at[j]],
                             sem_s.at[p], add=True)
            return carry2

        lax.fori_loop(0, _IC, inner, 0)
        swait((_IC - 1) % 2)
        return carry

    lax.fori_loop(0, n_rows_tile // _IC, outer, 0)


def _make_agg1(n_rows_tile):

    @functools.partial(
        pl.kernel,
        out_type=jax.ShapeDtypeStruct((_NSC, _NP, _D), jnp.float32),
        mesh=_sc_mesh(),
        scratch_types=(
            pltpu.VMEM((_IC, _CH), jnp.int32),
            pltpu.VMEM((_IC, _CH), jnp.int32),
            pltpu.VMEM((2, _CH, _D), jnp.float32),
            pltpu.VMEM_SHARED((_NP, _D), jnp.float32),
            pltpu.SemaphoreType.DMA((2,)),
            pltpu.SemaphoreType.DMA((2,)),
        ),
    )
    def agg1(x_hbm, src_hbm, dst_hbm, zeros_hbm, out_hbm,
             src_v, dst_v, rows_v, acc_sh, sem_g, sem_s):
        c = lax.axis_index("c")
        s = lax.axis_index("s")
        t = c * _NTILE + s
        r0 = s * _RPT
        pltpu.sync_copy(zeros_hbm.at[pl.ds(r0, _RPT)], acc_sh.at[pl.ds(r0, _RPT)])
        plsc.subcore_barrier()
        _agg_loop(x_hbm, src_hbm, dst_hbm, acc_sh, src_v, dst_v, rows_v,
                  sem_g, sem_s, t * n_rows_tile, n_rows_tile, None)
        plsc.subcore_barrier()
        pltpu.sync_copy(acc_sh.at[pl.ds(r0, _RPT)], out_hbm.at[c, pl.ds(r0, _RPT)])

    return agg1


def _make_agg2(n_rows_tile):

    @functools.partial(
        pl.kernel,
        out_type=jax.ShapeDtypeStruct((_NSC, _NP, _D), jnp.float32),
        mesh=_sc_mesh(),
        scratch_types=(
            pltpu.VMEM((_IC, _CH), jnp.int32),
            pltpu.VMEM((_IC, _CH), jnp.int32),
            pltpu.VMEM((2, _CH, _D), jnp.float32),
            pltpu.VMEM_SHARED((_NP, _D), jnp.float32),
            pltpu.SemaphoreType.DMA((2,)),
            pltpu.SemaphoreType.DMA((2,)),
        ),
    )
    def agg2(h2_hbm, src2_hbm, dst_hbm, zeros_hbm, out_hbm,
             src_v, dst_v, rows_v, acc_sh, sem_g, sem_s):
        c = lax.axis_index("c")
        s = lax.axis_index("s")
        r0 = s * _RPT
        pltpu.sync_copy(zeros_hbm.at[pl.ds(r0, _RPT)], acc_sh.at[pl.ds(r0, _RPT)])
        plsc.subcore_barrier()
        _agg_loop(h2_hbm, src2_hbm, dst_hbm, acc_sh, src_v, dst_v, rows_v,
                  sem_g, sem_s, s * n_rows_tile, n_rows_tile, c)
        plsc.subcore_barrier()
        pltpu.sync_copy(acc_sh.at[pl.ds(r0, _RPT)], out_hbm.at[c, pl.ds(r0, _RPT)])

    return agg2


def _make_cnt(n_rows_tile):

    @functools.partial(
        pl.kernel,
        out_type=jax.ShapeDtypeStruct((_NSC, _NP, _D), jnp.float32),
        mesh=_sc_mesh(),
        scratch_types=(
            pltpu.VMEM((_IC, _CH), jnp.int32),
            pltpu.VMEM((_CH, _D), jnp.float32),
            pltpu.VMEM_SHARED((_NP, _D), jnp.float32),
        ),
    )
    def cntk(dst_hbm, z16_hbm, ones_hbm, cnt_hbm, dst_v, ones_v, cnt_sh):
        c = lax.axis_index("c")
        s = lax.axis_index("s")
        t = c * _NTILE + s
        r0 = s * _RPT
        pltpu.sync_copy(z16_hbm.at[pl.ds(r0, _RPT)], cnt_sh.at[pl.ds(r0, _RPT)])
        pltpu.sync_copy(ones_hbm, ones_v)
        plsc.subcore_barrier()

        def outer(k, carry):
            base = t * n_rows_tile + k * _IC
            pltpu.sync_copy(dst_hbm.at[pl.ds(base, _IC)], dst_v)

            def inner(j, carry2):
                pltpu.sync_copy(ones_v, cnt_sh.at[dst_v.at[j]], add=True)
                return carry2

            lax.fori_loop(0, _IC, inner, 0)
            return carry

        lax.fori_loop(0, n_rows_tile // _IC, outer, 0)
        plsc.subcore_barrier()
        pltpu.sync_copy(cnt_sh.at[pl.ds(r0, _RPT)], cnt_hbm.at[c, pl.ds(r0, _RPT)])

    return cntk


def _tcr_body(x_ref, w_ref, b_ref, out_ref):
    o = lax.dot_general(x_ref[...], w_ref[...], (((1,), (1,)), ((), ())),
                        preferred_element_type=jnp.float32)
    out_ref[...] = o + b_ref[...]


def _tc1_body(s1_ref, cnt_ref, hr_ref, w1l_ref, h_ref):
    cnt = cnt_ref[0, :, 0:1] + cnt_ref[1, :, 0:1]
    inv = 1.0 / jnp.maximum(cnt, 1.0)
    agg = (s1_ref[0] + s1_ref[1]) * inv
    h = lax.dot_general(agg, w1l_ref[...], (((1,), (1,)), ((), ())),
                        preferred_element_type=jnp.float32)
    h_ref[...] = jnp.maximum(h + hr_ref[...], 0.0)


def _tc2_body(s2_ref, cnt_ref, or_ref, w2la_ref, w2lb_ref, out_ref):
    cnt = cnt_ref[0, :, 0:1] + cnt_ref[1, :, 0:1]
    inv = 1.0 / jnp.maximum(cnt, 1.0)
    o = lax.dot_general(s2_ref[0] * inv, w2la_ref[...], (((1,), (1,)), ((), ())),
                        preferred_element_type=jnp.float32)
    o += lax.dot_general(s2_ref[1] * inv, w2lb_ref[...], (((1,), (1,)), ((), ())),
                         preferred_element_type=jnp.float32)
    out_ref[...] = o + or_ref[...]


def _tcr(x, W, b_2d, width):
    return pl.pallas_call(
        _tcr_body,
        grid=(_N // _BLK,),
        in_specs=[
            pl.BlockSpec((_BLK, width), lambda i: (i, 0)),
            pl.BlockSpec((_H, width), lambda i: (0, 0)),
            pl.BlockSpec((1, _H), lambda i: (0, 0)),
        ],
        out_specs=pl.BlockSpec((_BLK, _H), lambda i: (i, 0)),
        out_shape=jax.ShapeDtypeStruct((_N, _H), jnp.float32),
    )(x, W, b_2d)


def _tc1(s1, cnt, hr, W1l):
    return pl.pallas_call(
        _tc1_body,
        grid=(_N // _BLK,),
        in_specs=[
            pl.BlockSpec((_NSC, _BLK, _D), lambda i: (0, i, 0)),
            pl.BlockSpec((_NSC, _BLK, _D), lambda i: (0, i, 0)),
            pl.BlockSpec((_BLK, _H), lambda i: (i, 0)),
            pl.BlockSpec((_H, _D), lambda i: (0, 0)),
        ],
        out_specs=pl.BlockSpec((_BLK, _H), lambda i: (i, 0)),
        out_shape=jax.ShapeDtypeStruct((_N, _H), jnp.float32),
    )(s1, cnt, hr, W1l)


def _tc2(s2, cnt, outr, W2la, W2lb):
    return pl.pallas_call(
        _tc2_body,
        grid=(_N // _BLK,),
        in_specs=[
            pl.BlockSpec((_NSC, _BLK, _D), lambda i: (0, i, 0)),
            pl.BlockSpec((_NSC, _BLK, _D), lambda i: (0, i, 0)),
            pl.BlockSpec((_BLK, _H), lambda i: (i, 0)),
            pl.BlockSpec((_H, _D), lambda i: (0, 0)),
            pl.BlockSpec((_H, _D), lambda i: (0, 0)),
        ],
        out_specs=pl.BlockSpec((_BLK, _H), lambda i: (i, 0)),
        out_shape=jax.ShapeDtypeStruct((_N, _H), jnp.float32),
    )(s2, cnt, outr, W2la, W2lb)


def kernel(x, edge_index, W1l, b1, W1r, W2l, b2, W2r):
    src = edge_index[0]
    dst = edge_index[1]
    e = src.shape[0]
    chunk_all = _NSC * _NTILE * _CH * 8
    e_pad = ((e + chunk_all - 1) // chunk_all) * chunk_all
    pad = e_pad - e
    fill = jnp.arange(pad, dtype=jnp.int32)
    src_p = jnp.concatenate([src, fill % _N])
    dst_p = jnp.concatenate([dst, _N + fill % (_NP - _N)])
    rows = e_pad // _CH
    src2d = src_p.reshape(rows, _CH)
    dst2d = dst_p.reshape(rows, _CH)
    z128 = jnp.zeros((_NP, _D), jnp.float32)
    ones = jnp.ones((_CH, _D), jnp.float32)

    n_rt1 = rows // (_NSC * _NTILE)
    n_rt2 = rows // _NTILE

    s1 = _make_agg1(n_rt1)(x, src2d, dst2d, z128)
    cnt = _make_cnt(n_rt1)(dst2d, z128, ones)
    hr = _tcr(x, W1r, b1.reshape(1, _H), _D)

    h = _tc1(s1, cnt, hr, W1l)

    h2 = h.reshape(_N * 2, _D)
    s2 = _make_agg2(n_rt2)(h2, src2d, dst2d, z128)
    outr = _tcr(h, W2r, b2.reshape(1, _H), _H)

    return _tc2(s2, cnt, outr, W2l[:, :_D], W2l[:, _D:])

# --- scband reference (transcript-rebuilt; emitter-appended) ---
"""Pipeline reference for scband-graph-sage-encoder-43817256354110 (READ-ONLY COPY).

The authoritative reference and input builder live on the scoring server;
editing this copy changes nothing except your own understanding.
"""

import jax, jax.numpy as jnp
import numpy as np

N = 10000
E = 320000
D = 128
H = 256


def setup_inputs(seed: int = 0) -> dict:
    key = jax.random.key(seed)
    ks = jax.random.split(key, 8)
    x = jax.random.normal(ks[0], (N, D), dtype=jnp.float32)
    edge_index = jax.random.randint(ks[1], (2, E), 0, N, dtype=jnp.int32)
    # SAGEConv layer 1: in=D, out=H. lin_l (neighbor, with bias), lin_r (root, no bias)
    W1l = jax.random.normal(ks[2], (H, D), dtype=jnp.float32) / np.sqrt(D)
    b1 = jnp.zeros((H,), dtype=jnp.float32)
    W1r = jax.random.normal(ks[3], (H, D), dtype=jnp.float32) / np.sqrt(D)
    # SAGEConv layer 2: in=H, out=H
    W2l = jax.random.normal(ks[4], (H, H), dtype=jnp.float32) / np.sqrt(H)
    b2 = jnp.zeros((H,), dtype=jnp.float32)
    W2r = jax.random.normal(ks[5], (H, H), dtype=jnp.float32) / np.sqrt(H)
    return {"x": x, "edge_index": edge_index, "W1l": W1l, "b1": b1, "W1r": W1r,
            "W2l": W2l, "b2": b2, "W2r": W2r}


def _sage_conv(x_src, x_dst, edge_index, Wl, bl, Wr, n_dst):
    # PyG SAGEConv with default mean aggregation:
    #   out = lin_l(mean_{j in N(i)} x_j) + lin_r(x_i)
    src = edge_index[0]
    dst = edge_index[1]
    msgs = jnp.take(x_src, src, axis=0)                       # gather  [E, d]
    s = jax.ops.segment_sum(msgs, dst, num_segments=n_dst)    # scatter-add [N, d]
    cnt = jax.ops.segment_sum(jnp.ones((msgs.shape[0], 1), dtype=x_src.dtype), dst,
                              num_segments=n_dst)
    agg = s / jnp.maximum(cnt, 1.0)
    return agg @ Wl.T + bl + x_dst @ Wr.T


def reference(x, edge_index, W1l, b1, W1r, W2l, b2, W2r):
    # HeteroConv with a single ('node','to','node') edge type; aggr='sum' over
    # edge types is identity with one edge type.
    h = _sage_conv(x, x, edge_index, W1l, b1, W1r, N)   # conv1
    h = jax.nn.relu(h)                                   # ReLU between layers
    out = _sage_conv(h, h, edge_index, W2l, b2, W2r, N)  # conv2
    return out

if __name__ == "__main__":
    import jax
    _d = setup_inputs()
    print(jax.jit(kernel)(*tuple(_d.values())))

</pallas_src>

<mosaic_0001>
#map = affine_map<(d0, d1) -> (0, 0)>
#map1 = affine_map<(d0, d1) -> (0, 0, 0)>
module attributes {stable_mosaic.version = 14 : i64} {
  func.func @agg1(%arg0: i32, %arg1: i32, %arg2: memref<10000x128xf32, #tpu.memory_space<hbm>>, %arg3: memref<2560x128xi32, #tpu.memory_space<hbm>>, %arg4: memref<2560x128xi32, #tpu.memory_space<hbm>>, %arg5: memref<10112x128xf32, #tpu.memory_space<hbm>>, %arg6: memref<2x10112x128xf32, #tpu.memory_space<hbm>>, %arg7: memref<40x128xi32, #tpu.memory_space<vmem>>, %arg8: memref<40x128xi32, #tpu.memory_space<vmem>>, %arg9: memref<2x128x128xf32, #tpu.memory_space<vmem>>, %arg10: memref<10112x128xf32, #tpu.memory_space<vmem_shared>>, %arg11: memref<2x!tpu.dma_semaphore, #tpu.memory_space<semaphore_mem>>, %arg12: memref<2x!tpu.dma_semaphore, #tpu.memory_space<semaphore_mem>>) attributes {dimension_semantics = [#tpu.dimension_semantics<core_parallel>, #tpu.dimension_semantics<subcore_parallel>], iteration_bounds = array<i64: 2, 16>, scalar_prefetch = 0 : i64, scratch_operands = 6 : i64, tpu.core_type = #tpu.core_type<sc_vector_subcore>, window_params = [{transform_indices = #map}, {transform_indices = #map}, {transform_indices = #map}, {transform_indices = #map}, {transform_indices = #map1}]} {
    %mul3A = arith.constant 16 : i32
    %mul3A_0 = arith.muli %arg0, %mul3A : i32
    %add3A = arith.addi %mul3A_0, %arg1 : i32
    %mul3A_1 = arith.constant 632 : i32
    %mul3A_2 = arith.muli %arg1, %mul3A_1 : i32
    "tpu.region"() ({
      %run_scoped3A = tpu.sem_alloc : memref<!tpu.dma_semaphore, #tpu.memory_space<semaphore_mem>>
      %dma_start3A = arith.constant 0 : i32
      %dma_start3A_11 = tpu.memref_slice %arg10[%mul3A_2, %dma_start3A] : memref<10112x128xf32, #tpu.memory_space<vmem_shared>> -> memref<632x128xf32, #tpu.memory_space<vmem_shared>>
      %dma_start3A_12 = arith.constant 0 : i32
      %dma_start3A_13 = tpu.memref_slice %arg5[%mul3A_2, %dma_start3A_12] : memref<10112x128xf32, #tpu.memory_space<hbm>> -> memref<632x128xf32, #tpu.memory_space<hbm>>
      tpu.enqueue_dma source(%dma_start3A_13 : memref<632x128xf32, #tpu.memory_space<hbm>>) target(%dma_start3A_11 : memref<632x128xf32, #tpu.memory_space<vmem_shared>>) target_semaphore(%run_scoped3A : memref<!tpu.dma_semaphore, #tpu.memory_space<semaphore_mem>>)
      %dma_wait3A = arith.constant 0 : i32
      %dma_wait3A_14 = tpu.memref_slice %arg10[%mul3A_2, %dma_wait3A] : memref<10112x128xf32, #tpu.memory_space<vmem_shared>> -> memref<632x128xf32, #tpu.memory_space<vmem_shared>>
      %dma_wait3A_15 = arith.constant 0 : i32
      %dma_wait3A_16 = tpu.memref_slice %arg5[%mul3A_2, %dma_wait3A_15] : memref<10112x128xf32, #tpu.memory_space<hbm>> -> memref<632x128xf32, #tpu.memory_space<hbm>>
      tpu.wait_dma2 semaphore(%run_scoped3A : memref<!tpu.dma_semaphore, #tpu.memory_space<semaphore_mem>>) src(%dma_wait3A_16 : memref<632x128xf32, #tpu.memory_space<hbm>>) dst(%dma_wait3A_14 : memref<632x128xf32, #tpu.memory_space<vmem_shared>>)
      tpu.yield
    }) : () -> ()
    %barrier3A = arith.constant 0 : index
    tpu.barrier barrier_id(%barrier3A)
    %mul3A_3 = arith.constant 80 : i32
    %mul3A_4 = arith.muli %add3A, %mul3A_3 : i32
    %scan3A = arith.constant 0 : i32
    %scan3A_5 = arith.constant 0 : i32
    %scan3A_6 = arith.constant 2 : i32
    %scan3A_7 = arith.addi %scan3A_5, %scan3A_6 : i32
    %scan3A_8 = arith.constant 1 : i32
    scf.for %scan3A_11 = %scan3A_5 to %scan3A_7 step %scan3A_8  : i32 {
      %mul3A_12 = arith.constant 40 : i32
      %mul3A_13 = arith.muli %scan3A_11, %mul3A_12 : i32
      %add3A_14 = arith.addi %mul3A_4, %mul3A_13 : i32
      "tpu.region"() ({
        %run_scoped3A = tpu.sem_alloc : memref<!tpu.dma_semaphore, #tpu.memory_space<semaphore_mem>>
        %dma_start3A_49 = arith.constant 0 : i32
        %dma_start3A_50 = tpu.memref_slice %arg3[%add3A_14, %dma_start3A_49] : memref<2560x128xi32, #tpu.memory_space<hbm>> -> memref<40x128xi32, #tpu.memory_space<hbm>>
        %dma_start3A_51 = arith.constant 0 : i32
        %dma_start3A_52 = tpu.memref_slice %arg3[%add3A_14, %dma_start3A_51] : memref<2560x128xi32, #tpu.memory_space<hbm>> -> memref<40x128xi32, #tpu.memory_space<hbm>>
        tpu.enqueue_dma source(%dma_start3A_52 : memref<40x128xi32, #tpu.memory_space<hbm>>) target(%arg7 : memref<40x128xi32, #tpu.memory_space<vmem>>) target_semaphore(%run_scoped3A : memref<!tpu.dma_semaphore, #tpu.memory_space<semaphore_mem>>)
        %dma_wait3A_53 = arith.constant 0 : i32
        %dma_wait3A_54 = tpu.memref_slice %arg3[%add3A_14, %dma_wait3A_53] : memref<2560x128xi32, #tpu.memory_space<hbm>> -> memref<40x128xi32, #tpu.memory_space<hbm>>
        %dma_wait3A_55 = arith.constant 0 : i32
        %dma_wait3A_56 = tpu.memref_slice %arg3[%add3A_14, %dma_wait3A_55] : memref<2560x128xi32, #tpu.memory_space<hbm>> -> memref<40x128xi32, #tpu.memory_space<hbm>>
        tpu.wait_dma2 semaphore(%run_scoped3A : memref<!tpu.dma_semaphore, #tpu.memory_space<semaphore_mem>>) src(%dma_wait3A_56 : memref<40x128xi32, #tpu.memory_space<hbm>>) dst(%arg7 : memref<40x128xi32, #tpu.memory_space<vmem>>)
        tpu.yield
      }) : () -> ()
      "tpu.region"() ({
        %run_scoped3A = tpu.sem_alloc : memref<!tpu.dma_semaphore, #tpu.memory_space<semaphore_mem>>
        %dma_start3A_49 = arith.constant 0 : i32
        %dma_start3A_50 = tpu.memref_slice %arg4[%add3A_14, %dma_start3A_49] : memref<2560x128xi32, #tpu.memory_space<hbm>> -> memref<40x128xi32, #tpu.memory_space<hbm>>
        %dma_start3A_51 = arith.constant 0 : i32
        %dma_start3A_52 = tpu.memref_slice %arg4[%add3A_14, %dma_start3A_51] : memref<2560x128xi32, #tpu.memory_space<hbm>> -> memref<40x128xi32, #tpu.memory_space<hbm>>
        tpu.enqueue_dma source(%dma_start3A_52 : memref<40x128xi32, #tpu.memory_space<hbm>>) target(%arg8 : memref<40x128xi32, #tpu.memory_space<vmem>>) target_semaphore(%run_scoped3A : memref<!tpu.dma_semaphore, #tpu.memory_space<semaphore_mem>>)
        %dma_wait3A_53 = arith.constant 0 : i32
        %dma_wait3A_54 = tpu.memref_slice %arg4[%add3A_14, %dma_wait3A_53] : memref<2560x128xi32, #tpu.memory_space<hbm>> -> memref<40x128xi32, #tpu.memory_space<hbm>>
        %dma_wait3A_55 = arith.constant 0 : i32
        %dma_wait3A_56 = tpu.memref_slice %arg4[%add3A_14, %dma_wait3A_55] : memref<2560x128xi32, #tpu.memory_space<hbm>> -> memref<40x128xi32, #tpu.memory_space<hbm>>
        tpu.wait_dma2 semaphore(%run_scoped3A : memref<!tpu.dma_semaphore, #tpu.memory_space<semaphore_mem>>) src(%dma_wait3A_56 : memref<40x128xi32, #tpu.memory_space<hbm>>) dst(%arg8 : memref<40x128xi32, #tpu.memory_space<vmem>>)
        tpu.yield
      }) : () -> ()
      %dma_start3A = arith.constant 0 : i32
      %dma_start3A_15 = arith.constant 0 : i32
      %dma_start3A_16 = arith.constant 0 : i32
      %dma_start3A_17 = arith.constant 0 : i32
      %dma_start3A_18 = arith.constant 0 : i32
      %dma_start3A_19 = tpu.memref_slice %arg9[%dma_start3A_15, %dma_start3A_17, %dma_start3A_18] : memref<2x128x128xf32, #tpu.memory_space<vmem>> -> memref<1x128x128xf32, #tpu.memory_space<vmem>>
      %dma_start3A_20 = tpu.memref_squeeze %dma_start3A_19 : memref<1x128x128xf32, #tpu.memory_space<vmem>> -> memref<128x128xf32, #tpu.memory_space<vmem>>
      %dma_start3A_21 = arith.constant 0 : i32
      %dma_start3A_22 = tpu.memref_slice %arg7[%dma_start3A, %dma_start3A_21] : memref<40x128xi32, #tpu.memory_space<vmem>> -> memref<1x128xi32, #tpu.memory_space<vmem>>
      %dma_start3A_23 = tpu.memref_squeeze %dma_start3A_22 : memref<1x128xi32, #tpu.memory_space<vmem>> -> memref<128xi32, #tpu.memory_space<vmem>>
      %dma_start3A_24 = arith.constant 0 : i32
      %dma_start3A_25 = arith.constant 0 : i32
      %dma_start3A_26 = tpu.memref_slice %arg2[%dma_start3A_24, %dma_start3A_25] : memref<10000x128xf32, #tpu.memory_space<hbm>> -> memref<10000x128xf32, #tpu.memory_space<hbm>>
      %dma_start3A_27 = tpu.memref_slice %arg11[%dma_start3A_16] : memref<2x!tpu.dma_semaphore, #tpu.memory_space<semaphore_mem>> -> memref<1x!tpu.dma_semaphore, #tpu.memory_space<semaphore_mem>>
      %dma_start3A_28 = tpu.memref_squeeze %dma_start3A_27 : memref<1x!tpu.dma_semaphore, #tpu.memory_space<semaphore_mem>> -> memref<!tpu.dma_semaphore, #tpu.memory_space<semaphore_mem>>
      tpu.enqueue_indirect_dma source(%dma_start3A_26 : memref<10000x128xf32, #tpu.memory_space<hbm>>) target(%dma_start3A_20 : memref<128x128xf32, #tpu.memory_space<vmem>>) offsets(%dma_start3A_23 : memref<128xi32, #tpu.memory_space<vmem>>) semaphore(%dma_start3A_28 : memref<!tpu.dma_semaphore, #tpu.memory_space<semaphore_mem>>)
      %scan3A_29 = arith.constant 0 : i32
      %scan3A_30 = arith.constant 0 : i32
      %scan3A_31 = arith.constant 40 : i32
      %scan3A_32 = arith.addi %scan3A_30, %scan3A_31 : i32
      %scan3A_33 = arith.constant 1 : i32
      scf.for %scan3A_49 = %scan3A_30 to %scan3A_32 step %scan3A_33  : i32 {
        %rem3A = arith.constant 2 : i32
        %rem3A_50 = arith.remsi %scan3A_49, %rem3A : i32
        %sub3A = arith.constant 1 : i32
        %sub3A_51 = arith.subi %sub3A, %rem3A_50 : i32
        %ge3A = arith.constant 1 : i32
        %ge3A_52 = arith.cmpi sge, %scan3A_49, %ge3A : i32
        %convert_element_type3A = arith.extui %ge3A_52 : i1 to i32
        %cond3A = arith.constant 0 : i32
        %cond3A_53 = arith.cmpi ne, %convert_element_type3A, %cond3A : i32
        scf.if %cond3A_53 {
          %dma_wait3A_85 = arith.constant 0 : i32
          %dma_wait3A_86 = arith.constant 0 : i32
          %dma_wait3A_87 = arith.constant 0 : i32
          %dma_wait3A_88 = tpu.memref_slice %arg9[%sub3A_51, %dma_wait3A_86, %dma_wait3A_87] : memref<2x128x128xf32, #tpu.memory_space<vmem>> -> memref<1x128x128xf32, #tpu.memory_space<vmem>>
          %dma_wait3A_89 = tpu.memref_squeeze %dma_wait3A_88 : memref<1x128x128xf32, #tpu.memory_space<vmem>> -> memref<128x128xf32, #tpu.memory_space<vmem>>
          %dma_wait3A_90 = arith.constant 0 : i32
          %dma_wait3A_91 = tpu.memref_slice %arg7[%dma_wait3A_85, %dma_wait3A_90] : memref<40x128xi32, #tpu.memory_space<vmem>> -> memref<1x128xi32, #tpu.memory_space<vmem>>
          %dma_wait3A_92 = tpu.memref_squeeze %dma_wait3A_91 : memref<1x128xi32, #tpu.memory_space<vmem>> -> memref<128xi32, #tpu.memory_space<vmem>>
          %dma_wait3A_93 = arith.constant 0 : i32
          %dma_wait3A_94 = arith.constant 0 : i32
          %dma_wait3A_95 = tpu.memref_slice %arg2[%dma_wait3A_93, %dma_wait3A_94] : memref<10000x128xf32, #tpu.memory_space<hbm>> -> memref<10000x128xf32, #tpu.memory_space<hbm>>
          %dma_wait3A_96 = tpu.memref_slice %arg12[%sub3A_51] : memref<2x!tpu.dma_semaphore, #tpu.memory_space<semaphore_mem>> -> memref<1x!tpu.dma_semaphore, #tpu.memory_space<semaphore_mem>>
          %dma_wait3A_97 = tpu.memref_squeeze %dma_wait3A_96 : memref<1x!tpu.dma_semaphore, #tpu.memory_space<semaphore_mem>> -> memref<!tpu.dma_semaphore, #tpu.memory_space<semaphore_mem>>
          tpu.wait_indirect_dma semaphore(%dma_wait3A_97 : memref<!tpu.dma_semaphore, #tpu.memory_space<semaphore_mem>>) src(%dma_wait3A_95 : memref<10000x128xf32, #tpu.memory_space<hbm>>) dst(%dma_wait3A_89 : memref<128x128xf32, #tpu.memory_space<vmem>>)
        } else {
        }
        %add3A_54 = arith.constant 1 : i32
        %add3A_55 = arith.addi %scan3A_49, %add3A_54 : i32
        %lt3A = arith.constant 40 : i32
        %lt3A_56 = arith.cmpi slt, %add3A_55, %lt3A : i32
        %convert_element_type3A_57 = arith.extui %lt3A_56 : i1 to i32
        %cond3A_58 = arith.constant 0 : i32
        %cond3A_59 = arith.cmpi ne, %convert_element_type3A_57, %cond3A_58 : i32
        scf.if %cond3A_59 {
          %add3A_85 = arith.constant 1 : i32
          %add3A_86 = arith.addi %scan3A_49, %add3A_85 : i32
          %dma_start3A_87 = arith.constant 0 : i32
          %dma_start3A_88 = arith.constant 0 : i32
          %dma_start3A_89 = tpu.memref_slice %arg9[%sub3A_51, %dma_start3A_87, %dma_start3A_88] : memref<2x128x128xf32, #tpu.memory_space<vmem>> -> memref<1x128x128xf32, #tpu.memory_space<vmem>>
          %dma_start3A_90 = tpu.memref_squeeze %dma_start3A_89 : memref<1x128x128xf32, #tpu.memory_space<vmem>> -> memref<128x128xf32, #tpu.memory_space<vmem>>
          %dma_start3A_91 = arith.constant 0 : i32
          %dma_start3A_92 = tpu.memref_slice %arg7[%add3A_86, %dma_start3A_91] : memref<40x128xi32, #tpu.memory_space<vmem>> -> memref<1x128xi32, #tpu.memory_space<vmem>>
          %dma_start3A_93 = tpu.memref_squeeze %dma_start3A_92 : memref<1x128xi32, #tpu.memory_space<vmem>> -> memref<128xi32, #tpu.memory_space<vmem>>
          %dma_start3A_94 = arith.constant 0 : i32
          %dma_start3A_95 = arith.constant 0 : i32
          %dma_start3A_96 = tpu.memref_slice %arg2[%dma_start3A_94, %dma_start3A_95] : memref<10000x128xf32, #tpu.memory_space<hbm>> -> memref<10000x128xf32, #tpu.memory_space<hbm>>
          %dma_start3A_97 = tpu.memref_slice %arg11[%sub3A_51] : memref<2x!tpu.dma_semaphore, #tpu.memory_space<semaphore_mem>> -> memref<1x!tpu.dma_semaphore, #tpu.memory_space<semaphore_mem>>
          %dma_start3A_98 = tpu.memref_squeeze %dma_start3A_97 : memref<1x!tpu.dma_semaphore, #tpu.memory_space<semaphore_mem>> -> memref<!tpu.dma_semaphore, #tpu.memory_space<semaphore_mem>>
          tpu.enqueue_indirect_dma source(%dma_start3A_96 : memref<10000x128xf32, #tpu.memory_space<hbm>>) target(%dma_start3A_90 : memref<128x128xf32, #tpu.memory_space<vmem>>) offsets(%dma_start3A_93 : memref<128xi32, #tpu.memory_space<vmem>>) semaphore(%dma_start3A_98 : memref<!tpu.dma_semaphore, #tpu.memory_space<semaphore_mem>>)
        } else {
        }
        %dma_wait3A_60 = arith.constant 0 : i32
        %dma_wait3A_61 = arith.constant 0 : i32
        %dma_wait3A_62 = arith.constant 0 : i32
        %dma_wait3A_63 = tpu.memref_slice %arg9[%rem3A_50, %dma_wait3A_61, %dma_wait3A_62] : memref<2x128x128xf32, #tpu.memory_space<vmem>> -> memref<1x128x128xf32, #tpu.memory_space<vmem>>
        %dma_wait3A_64 = tpu.memref_squeeze %dma_wait3A_63 : memref<1x128x128xf32, #tpu.memory_space<vmem>> -> memref<128x128xf32, #tpu.memory_space<vmem>>
        %dma_wait3A_65 = arith.constant 0 : i32
        %dma_wait3A_66 = tpu.memref_slice %arg7[%dma_wait3A_60, %dma_wait3A_65] : memref<40x128xi32, #tpu.memory_space<vmem>> -> memref<1x128xi32, #tpu.memory_space<vmem>>
        %dma_wait3A_67 = tpu.memref_squeeze %dma_wait3A_66 : memref<1x128xi32, #tpu.memory_space<vmem>> -> memref<128xi32, #tpu.memory_space<vmem>>
        %dma_wait3A_68 = arith.constant 0 : i32
        %dma_wait3A_69 = arith.constant 0 : i32
        %dma_wait3A_70 = tpu.memref_slice %arg2[%dma_wait3A_68, %dma_wait3A_69] : memref<10000x128xf32, #tpu.memory_space<hbm>> -> memref<10000x128xf32, #tpu.memory_space<hbm>>
        %dma_wait3A_71 = tpu.memref_slice %arg11[%rem3A_50] : memref<2x!tpu.dma_semaphore, #tpu.memory_space<semaphore_mem>> -> memref<1x!tpu.dma_semaphore, #tpu.memory_space<semaphore_mem>>
        %dma_wait3A_72 = tpu.memref_squeeze %dma_wait3A_71 : memref<1x!tpu.dma_semaphore, #tpu.memory_space<semaphore_mem>> -> memref<!tpu.dma_semaphore, #tpu.memory_space<semaphore_mem>>
        tpu.wait_indirect_dma semaphore(%dma_wait3A_72 : memref<!tpu.dma_semaphore, #tpu.memory_space<semaphore_mem>>) src(%dma_wait3A_70 : memref<10000x128xf32, #tpu.memory_space<hbm>>) dst(%dma_wait3A_64 : memref<128x128xf32, #tpu.memory_space<vmem>>)
        %dma_start3A_73 = arith.constant 0 : i32
        %dma_start3A_74 = arith.constant 0 : i32
        %dma_start3A_75 = tpu.memref_slice %arg9[%rem3A_50, %dma_start3A_73, %dma_start3A_74] : memref<2x128x128xf32, #tpu.memory_space<vmem>> -> memref<1x128x128xf32, #tpu.memory_space<vmem>>
        %dma_start3A_76 = tpu.memref_squeeze %dma_start3A_75 : memref<1x128x128xf32, #tpu.memory_space<vmem>> -> memref<128x128xf32, #tpu.memory_space<vmem>>
        %dma_start3A_77 = arith.constant 0 : i32
        %dma_start3A_78 = tpu.memref_slice %arg8[%scan3A_49, %dma_start3A_77] : memref<40x128xi32, #tpu.memory_space<vmem>> -> memref<1x128xi32, #tpu.memory_space<vmem>>
        %dma_start3A_79 = tpu.memref_squeeze %dma_start3A_78 : memref<1x128xi32, #tpu.memory_space<vmem>> -> memref<128xi32, #tpu.memory_space<vmem>>
        %dma_start3A_80 = arith.constant 0 : i32
        %dma_start3A_81 = arith.constant 0 : i32
        %dma_start3A_82 = tpu.memref_slice %arg10[%dma_start3A_80, %dma_start3A_81] : memref<10112x128xf32, #tpu.memory_space<vmem_shared>> -> memref<10112x128xf32, #tpu.memory_space<vmem_shared>>
        %dma_start3A_83 = tpu.memref_slice %arg12[%rem3A_50] : memref<2x!tpu.dma_semaphore, #tpu.memory_space<semaphore_mem>> -> memref<1x!tpu.dma_semaphore, #tpu.memory_space<semaphore_mem>>
        %dma_start3A_84 = tpu.memref_squeeze %dma_start3A_83 : memref<1x!tpu.dma_semaphore, #tpu.memory_space<semaphore_mem>> -> memref<!tpu.dma_semaphore, #tpu.memory_space<semaphore_mem>>
        tpu.enqueue_indirect_dma source(%dma_start3A_76 : memref<128x128xf32, #tpu.memory_space<vmem>>) target(%dma_start3A_82 : memref<10112x128xf32, #tpu.memory_space<vmem_shared>>) offsets(%dma_start3A_79 : memref<128xi32, #tpu.memory_space<vmem>>) semaphore(%dma_start3A_84 : memref<!tpu.dma_semaphore, #tpu.memory_space<semaphore_mem>>) {add = true}
      }
      %scan3A_34 = arith.constant 40 : i32
      %dma_wait3A = arith.constant 0 : i32
      %dma_wait3A_35 = arith.constant 1 : i32
      %dma_wait3A_36 = arith.constant 1 : i32
      %dma_wait3A_37 = arith.constant 0 : i32
      %dma_wait3A_38 = arith.constant 0 : i32
      %dma_wait3A_39 = tpu.memref_slice %arg9[%dma_wait3A_35, %dma_wait3A_37, %dma_wait3A_38] : memref<2x128x128xf32, #tpu.memory_space<vmem>> -> memref<1x128x128xf32, #tpu.memory_space<vmem>>
      %dma_wait3A_40 = tpu.memref_squeeze %dma_wait3A_39 : memref<1x128x128xf32, #tpu.memory_space<vmem>> -> memref<128x128xf32, #tpu.memory_space<vmem>>
      %dma_wait3A_41 = arith.constant 0 : i32
      %dma_wait3A_42 = tpu.memref_slice %arg7[%dma_wait3A, %dma_wait3A_41] : memref<40x128xi32, #tpu.memory_space<vmem>> -> memref<1x128xi32, #tpu.memory_space<vmem>>
      %dma_wait3A_43 = tpu.memref_squeeze %dma_wait3A_42 : memref<1x128xi32, #tpu.memory_space<vmem>> -> memref<128xi32, #tpu.memory_space<vmem>>
      %dma_wait3A_44 = arith.constant 0 : i32
      %dma_wait3A_45 = arith.constant 0 : i32
      %dma_wait3A_46 = tpu.memref_slice %arg2[%dma_wait3A_44, %dma_wait3A_45] : memref<10000x128xf32, #tpu.memory_space<hbm>> -> memref<10000x128xf32, #tpu.memory_space<hbm>>
      %dma_wait3A_47 = tpu.memref_slice %arg12[%dma_wait3A_36] : memref<2x!tpu.dma_semaphore, #tpu.memory_space<semaphore_mem>> -> memref<1x!tpu.dma_semaphore, #tpu.memory_space<semaphore_mem>>
      %dma_wait3A_48 = tpu.memref_squeeze %dma_wait3A_47 : memref<1x!tpu.dma_semaphore, #tpu.memory_space<semaphore_mem>> -> memref<!tpu.dma_semaphore, #tpu.memory_space<semaphore_mem>>
      tpu.wait_indirect_dma semaphore(%dma_wait3A_48 : memref<!tpu.dma_semaphore, #tpu.memory_space<semaphore_mem>>) src(%dma_wait3A_46 : memref<10000x128xf32, #tpu.memory_space<hbm>>) dst(%dma_wait3A_40 : memref<128x128xf32, #tpu.memory_space<vmem>>)
    }
    %scan3A_9 = arith.constant 2 : i32
    %barrier3A_10 = arith.constant 0 : index
    tpu.barrier barrier_id(%barrier3A_10)
    "tpu.region"() ({
      %run_scoped3A = tpu.sem_alloc : memref<!tpu.dma_semaphore, #tpu.memory_space<semaphore_mem>>
      %dma_start3A = arith.constant 0 : i32
      %dma_start3A_11 = tpu.memref_slice %arg6[%arg0, %mul3A_2, %dma_start3A] : memref<2x10112x128xf32, #tpu.memory_space<hbm>> -> memref<1x632x128xf32, #tpu.memory_space<hbm>>
      %dma_start3A_12 = tpu.memref_squeeze %dma_start3A_11 : memref<1x632x128xf32, #tpu.memory_space<hbm>> -> memref<632x128xf32, #tpu.memory_space<hbm>>
      %dma_start3A_13 = arith.constant 0 : i32
      %dma_start3A_14 = tpu.memref_slice %arg10[%mul3A_2, %dma_start3A_13] : memref<10112x128xf32, #tpu.memory_space<vmem_shared>> -> memref<632x128xf32, #tpu.memory_space<vmem_shared>>
      tpu.enqueue_dma source(%dma_start3A_14 : memref<632x128xf32, #tpu.memory_space<vmem_shared>>) target(%dma_start3A_12 : memref<632x128xf32, #tpu.memory_space<hbm>>) target_semaphore(%run_scoped3A : memref<!tpu.dma_semaphore, #tpu.memory_space<semaphore_mem>>)
      %dma_wait3A = arith.constant 0 : i32
      %dma_wait3A_15 = tpu.memref_slice %arg6[%arg0, %mul3A_2, %dma_wait3A] : memref<2x10112x128xf32, #tpu.memory_space<hbm>> -> memref<1x632x128xf32, #tpu.memory_space<hbm>>
      %dma_wait3A_16 = tpu.memref_squeeze %dma_wait3A_15 : memref<1x632x128xf32, #tpu.memory_space<hbm>> -> memref<632x128xf32, #tpu.memory_space<hbm>>
      %dma_wait3A_17 = arith.constant 0 : i32
      %dma_wait3A_18 = tpu.memref_slice %arg10[%mul3A_2, %dma_wait3A_17] : memref<10112x128xf32, #tpu.memory_space<vmem_shared>> -> memref<632x128xf32, #tpu.memory_space<vmem_shared>>
      tpu.wait_dma2 semaphore(%run_scoped3A : memref<!tpu.dma_semaphore, #tpu.memory_space<semaphore_mem>>) src(%dma_wait3A_18 : memref<632x128xf32, #tpu.memory_space<vmem_shared>>) dst(%dma_wait3A_16 : memref<632x128xf32, #tpu.memory_space<hbm>>)
      tpu.yield
    }) : () -> ()
    return
  }
}

#map = affine_map<(d0, d1) -> (0, 0)>
#map1 = affine_map<(d0, d1) -> (0, 0, 0)>
module attributes {stable_mosaic.version = 14 : i64} {
  func.func @cntk(%arg0: i32, %arg1: i32, %arg2: memref<2560x128xi32, #tpu.memory_space<hbm>>, %arg3: memref<10112x128xf32, #tpu.memory_space<hbm>>, %arg4: memref<128x128xf32, #tpu.memory_space<hbm>>, %arg5: memref<2x10112x128xf32, #tpu.memory_space<hbm>>, %arg6: memref<40x128xi32, #tpu.memory_space<vmem>>, %arg7: memref<128x128xf32, #tpu.memory_space<vmem>>, %arg8: memref<10112x128xf32, #tpu.memory_space<vmem_shared>>) attributes {dimension_semantics = [#tpu.dimension_semantics<core_parallel>, #tpu.dimension_semantics<subcore_parallel>], iteration_bounds = array<i64: 2, 16>, scalar_prefetch = 0 : i64, scratch_operands = 3 : i64, tpu.core_type = #tpu.core_type<sc_vector_subcore>, window_params = [{transform_indices = #map}, {transform_indices = #map}, {transform_indices = #map}, {transform_indices = #map1}]} {
    %mul3A = arith.constant 16 : i32
    %mul3A_0 = arith.muli %arg0, %mul3A : i32
    %add3A = arith.addi %mul3A_0, %arg1 : i32
    %mul3A_1 = arith.constant 632 : i32
    %mul3A_2 = arith.muli %arg1, %mul3A_1 : i32
    "tpu.region"() ({
      %run_scoped3A = tpu.sem_alloc : memref<!tpu.dma_semaphore, #tpu.memory_space<semaphore_mem>>
      %dma_start3A = arith.constant 0 : i32
      %dma_start3A_9 = tpu.memref_slice %arg8[%mul3A_2, %dma_start3A] : memref<10112x128xf32, #tpu.memory_space<vmem_shared>> -> memref<632x128xf32, #tpu.memory_space<vmem_shared>>
      %dma_start3A_10 = arith.constant 0 : i32
      %dma_start3A_11 = tpu.memref_slice %arg3[%mul3A_2, %dma_start3A_10] : memref<10112x128xf32, #tpu.memory_space<hbm>> -> memref<632x128xf32, #tpu.memory_space<hbm>>
      tpu.enqueue_dma source(%dma_start3A_11 : memref<632x128xf32, #tpu.memory_space<hbm>>) target(%dma_start3A_9 : memref<632x128xf32, #tpu.memory_space<vmem_shared>>) target_semaphore(%run_scoped3A : memref<!tpu.dma_semaphore, #tpu.memory_space<semaphore_mem>>)
      %dma_wait3A = arith.constant 0 : i32
      %dma_wait3A_12 = tpu.memref_slice %arg8[%mul3A_2, %dma_wait3A] : memref<10112x128xf32, #tpu.memory_space<vmem_shared>> -> memref<632x128xf32, #tpu.memory_space<vmem_shared>>
      %dma_wait3A_13 = arith.constant 0 : i32
      %dma_wait3A_14 = tpu.memref_slice %arg3[%mul3A_2, %dma_wait3A_13] : memref<10112x128xf32, #tpu.memory_space<hbm>> -> memref<632x128xf32, #tpu.memory_space<hbm>>
      tpu.wait_dma2 semaphore(%run_scoped3A : memref<!tpu.dma_semaphore, #tpu.memory_space<semaphore_mem>>) src(%dma_wait3A_14 : memref<632x128xf32, #tpu.memory_space<hbm>>) dst(%dma_wait3A_12 : memref<632x128xf32, #tpu.memory_space<vmem_shared>>)
      tpu.yield
    }) : () -> ()
    "tpu.region"() ({
      %run_scoped3A = tpu.sem_alloc : memref<!tpu.dma_semaphore, #tpu.memory_space<semaphore_mem>>
      tpu.enqueue_dma source(%arg4 : memref<128x128xf32, #tpu.memory_space<hbm>>) target(%arg7 : memref<128x128xf32, #tpu.memory_space<vmem>>) target_semaphore(%run_scoped3A : memref<!tpu.dma_semaphore, #tpu.memory_space<semaphore_mem>>)
      tpu.wait_dma2 semaphore(%run_scoped3A : memref<!tpu.dma_semaphore, #tpu.memory_space<semaphore_mem>>) src(%arg4 : memref<128x128xf32, #tpu.memory_space<hbm>>) dst(%arg7 : memref<128x128xf32, #tpu.memory_space<vmem>>)
      tpu.yield
    }) : () -> ()
    %barrier3A = arith.constant 0 : index
    tpu.barrier barrier_id(%barrier3A)
    %scan3A = arith.constant 0 : i32
    %scan3A_3 = arith.constant 0 : i32
    %scan3A_4 = arith.constant 2 : i32
    %scan3A_5 = arith.addi %scan3A_3, %scan3A_4 : i32
    %scan3A_6 = arith.constant 1 : i32
    scf.for %scan3A_9 = %scan3A_3 to %scan3A_5 step %scan3A_6  : i32 {
      %mul3A_10 = arith.constant 80 : i32
      %mul3A_11 = arith.muli %add3A, %mul3A_10 : i32
      %mul3A_12 = arith.constant 40 : i32
      %mul3A_13 = arith.muli %scan3A_9, %mul3A_12 : i32
      %add3A_14 = arith.addi %mul3A_11, %mul3A_13 : i32
      "tpu.region"() ({
        %run_scoped3A = tpu.sem_alloc : memref<!tpu.dma_semaphore, #tpu.memory_space<semaphore_mem>>
        %dma_start3A = arith.constant 0 : i32
        %dma_start3A_21 = tpu.memref_slice %arg2[%add3A_14, %dma_start3A] : memref<2560x128xi32, #tpu.memory_space<hbm>> -> memref<40x128xi32, #tpu.memory_space<hbm>>
        %dma_start3A_22 = arith.constant 0 : i32
        %dma_start3A_23 = tpu.memref_slice %arg2[%add3A_14, %dma_start3A_22] : memref<2560x128xi32, #tpu.memory_space<hbm>> -> memref<40x128xi32, #tpu.memory_space<hbm>>
        tpu.enqueue_dma source(%dma_start3A_23 : memref<40x128xi32, #tpu.memory_space<hbm>>) target(%arg6 : memref<40x128xi32, #tpu.memory_space<vmem>>) target_semaphore(%run_scoped3A : memref<!tpu.dma_semaphore, #tpu.memory_space<semaphore_mem>>)
        %dma_wait3A = arith.constant 0 : i32
        %dma_wait3A_24 = tpu.memref_slice %arg2[%add3A_14, %dma_wait3A] : memref<2560x128xi32, #tpu.memory_space<hbm>> -> memref<40x128xi32, #tpu.memory_space<hbm>>
        %dma_wait3A_25 = arith.constant 0 : i32
        %dma_wait3A_26 = tpu.memref_slice %arg2[%add3A_14, %dma_wait3A_25] : memref<2560x128xi32, #tpu.memory_space<hbm>> -> memref<40x128xi32, #tpu.memory_space<hbm>>
        tpu.wait_dma2 semaphore(%run_scoped3A : memref<!tpu.dma_semaphore, #tpu.memory_space<semaphore_mem>>) src(%dma_wait3A_26 : memref<40x128xi32, #tpu.memory_space<hbm>>) dst(%arg6 : memref<40x128xi32, #tpu.memory_space<vmem>>)
        tpu.yield
      }) : () -> ()
      %scan3A_15 = arith.constant 0 : i32
      %scan3A_16 = arith.constant 0 : i32
      %scan3A_17 = arith.constant 40 : i32
      %scan3A_18 = arith.addi %scan3A_16, %scan3A_17 : i32
      %scan3A_19 = arith.constant 1 : i32
      scf.for %scan3A_21 = %scan3A_16 to %scan3A_18 step %scan3A_19  : i32 {
        "tpu.region"() ({
          %run_scoped3A = tpu.sem_alloc : memref<!tpu.dma_semaphore, #tpu.memory_space<semaphore_mem>>
          %dma_start3A = arith.constant 0 : i32
          %dma_start3A_22 = tpu.memref_slice %arg6[%scan3A_21, %dma_start3A] : memref<40x128xi32, #tpu.memory_space<vmem>> -> memref<1x128xi32, #tpu.memory_space<vmem>>
          %dma_start3A_23 = tpu.memref_squeeze %dma_start3A_22 : memref<1x128xi32, #tpu.memory_space<vmem>> -> memref<128xi32, #tpu.memory_space<vmem>>
          %dma_start3A_24 = arith.constant 0 : i32
          %dma_start3A_25 = arith.constant 0 : i32
          %dma_start3A_26 = tpu.memref_slice %arg8[%dma_start3A_24, %dma_start3A_25] : memref<10112x128xf32, #tpu.memory_space<vmem_shared>> -> memref<10112x128xf32, #tpu.memory_space<vmem_shared>>
          tpu.enqueue_indirect_dma source(%arg7 : memref<128x128xf32, #tpu.memory_space<vmem>>) target(%dma_start3A_26 : memref<10112x128xf32, #tpu.memory_space<vmem_shared>>) offsets(%dma_start3A_23 : memref<128xi32, #tpu.memory_space<vmem>>) semaphore(%run_scoped3A : memref<!tpu.dma_semaphore, #tpu.memory_space<semaphore_mem>>) {add = true}
          %dma_wait3A = arith.constant 0 : i32
          %dma_wait3A_27 = tpu.memref_slice %arg6[%scan3A_21, %dma_wait3A] : memref<40x128xi32, #tpu.memory_space<vmem>> -> memref<1x128xi32, #tpu.memory_space<vmem>>
          %dma_wait3A_28 = tpu.memref_squeeze %dma_wait3A_27 : memref<1x128xi32, #tpu.memory_space<vmem>> -> memref<128xi32, #tpu.memory_space<vmem>>
          %dma_wait3A_29 = arith.constant 0 : i32
          %dma_wait3A_30 = arith.constant 0 : i32
          %dma_wait3A_31 = tpu.memref_slice %arg8[%dma_wait3A_29, %dma_wait3A_30] : memref<10112x128xf32, #tpu.memory_space<vmem_shared>> -> memref<10112x128xf32, #tpu.memory_space<vmem_shared>>
          tpu.wait_indirect_dma semaphore(%run_scoped3A : memref<!tpu.dma_semaphore, #tpu.memory_space<semaphore_mem>>) src(%arg7 : memref<128x128xf32, #tpu.memory_space<vmem>>) dst(%dma_wait3A_31 : memref<10112x128xf32, #tpu.memory_space<vmem_shared>>)
          tpu.yield
        }) : () -> ()
      }
      %scan3A_20 = arith.constant 40 : i32
    }
    %scan3A_7 = arith.constant 2 : i32
    %barrier3A_8 = arith.constant 0 : index
    tpu.barrier barrier_id(%barrier3A_8)
    "tpu.region"() ({
      %run_scoped3A = tpu.sem_alloc : memref<!tpu.dma_semaphore, #tpu.memory_space<semaphore_mem>>
      %dma_start3A = arith.constant 0 : i32
      %dma_start3A_9 = tpu.memref_slice %arg5[%arg0, %mul3A_2, %dma_start3A] : memref<2x10112x128xf32, #tpu.memory_space<hbm>> -> memref<1x632x128xf32, #tpu.memory_space<hbm>>
      %dma_start3A_10 = tpu.memref_squeeze %dma_start3A_9 : memref<1x632x128xf32, #tpu.memory_space<hbm>> -> memref<632x128xf32, #tpu.memory_space<hbm>>
      %dma_start3A_11 = arith.constant 0 : i32
      %dma_start3A_12 = tpu.memref_slice %arg8[%mul3A_2, %dma_start3A_11] : memref<10112x128xf32, #tpu.memory_space<vmem_shared>> -> memref<632x128xf32, #tpu.memory_space<vmem_shared>>
      tpu.enqueue_dma source(%dma_start3A_12 : memref<632x128xf32, #tpu.memory_space<vmem_shared>>) target(%dma_start3A_10 : memref<632x128xf32, #tpu.memory_space<hbm>>) target_semaphore(%run_scoped3A : memref<!tpu.dma_semaphore, #tpu.memory_space<semaphore_mem>>)
      %dma_wait3A = arith.constant 0 : i32
      %dma_wait3A_13 = tpu.memref_slice %arg5[%arg0, %mul3A_2, %dma_wait3A] : memref<2x10112x128xf32, #tpu.memory_space<hbm>> -> memref<1x632x128xf32, #tpu.memory_space<hbm>>
      %dma_wait3A_14 = tpu.memref_squeeze %dma_wait3A_13 : memref<1x632x128xf32, #tpu.memory_space<hbm>> -> memref<632x128xf32, #tpu.memory_space<hbm>>
      %dma_wait3A_15 = arith.constant 0 : i32
      %dma_wait3A_16 = tpu.memref_slice %arg8[%mul3A_2, %dma_wait3A_15] : memref<10112x128xf32, #tpu.memory_space<vmem_shared>> -> memref<632x128xf32, #tpu.memory_space<vmem_shared>>
      tpu.wait_dma2 semaphore(%run_scoped3A : memref<!tpu.dma_semaphore, #tpu.memory_space<semaphore_mem>>) src(%dma_wait3A_16 : memref<632x128xf32, #tpu.memory_space<vmem_shared>>) dst(%dma_wait3A_14 : memref<632x128xf32, #tpu.memory_space<hbm>>)
      tpu.yield
    }) : () -> ()
    return
  }
}

#map = affine_map<(d0, d1) -> (0, 0)>
#map1 = affine_map<(d0, d1) -> (0, 0, 0)>
module attributes {stable_mosaic.version = 14 : i64} {
  func.func @agg2(%arg0: i32, %arg1: i32, %arg2: memref<20000x128xf32, #tpu.memory_space<hbm>>, %arg3: memref<2560x128xi32, #tpu.memory_space<hbm>>, %arg4: memref<2560x128xi32, #tpu.memory_space<hbm>>, %arg5: memref<10112x128xf32, #tpu.memory_space<hbm>>, %arg6: memref<2x10112x128xf32, #tpu.memory_space<hbm>>, %arg7: memref<40x128xi32, #tpu.memory_space<vmem>>, %arg8: memref<40x128xi32, #tpu.memory_space<vmem>>, %arg9: memref<2x128x128xf32, #tpu.memory_space<vmem>>, %arg10: memref<10112x128xf32, #tpu.memory_space<vmem_shared>>, %arg11: memref<2x!tpu.dma_semaphore, #tpu.memory_space<semaphore_mem>>, %arg12: memref<2x!tpu.dma_semaphore, #tpu.memory_space<semaphore_mem>>) attributes {dimension_semantics = [#tpu.dimension_semantics<core_parallel>, #tpu.dimension_semantics<subcore_parallel>], iteration_bounds = array<i64: 2, 16>, scalar_prefetch = 0 : i64, scratch_operands = 6 : i64, tpu.core_type = #tpu.core_type<sc_vector_subcore>, window_params = [{transform_indices = #map}, {transform_indices = #map}, {transform_indices = #map}, {transform_indices = #map}, {transform_indices = #map1}]} {
    %mul3A = arith.constant 632 : i32
    %mul3A_0 = arith.muli %arg1, %mul3A : i32
    "tpu.region"() ({
      %run_scoped3A = tpu.sem_alloc : memref<!tpu.dma_semaphore, #tpu.memory_space<semaphore_mem>>
      %dma_start3A = arith.constant 0 : i32
      %dma_start3A_9 = tpu.memref_slice %arg10[%mul3A_0, %dma_start3A] : memref<10112x128xf32, #tpu.memory_space<vmem_shared>> -> memref<632x128xf32, #tpu.memory_space<vmem_shared>>
      %dma_start3A_10 = arith.constant 0 : i32
      %dma_start3A_11 = tpu.memref_slice %arg5[%mul3A_0, %dma_start3A_10] : memref<10112x128xf32, #tpu.memory_space<hbm>> -> memref<632x128xf32, #tpu.memory_space<hbm>>
      tpu.enqueue_dma source(%dma_start3A_11 : memref<632x128xf32, #tpu.memory_space<hbm>>) target(%dma_start3A_9 : memref<632x128xf32, #tpu.memory_space<vmem_shared>>) target_semaphore(%run_scoped3A : memref<!tpu.dma_semaphore, #tpu.memory_space<semaphore_mem>>)
      %dma_wait3A = arith.constant 0 : i32
      %dma_wait3A_12 = tpu.memref_slice %arg10[%mul3A_0, %dma_wait3A] : memref<10112x128xf32, #tpu.memory_space<vmem_shared>> -> memref<632x128xf32, #tpu.memory_space<vmem_shared>>
      %dma_wait3A_13 = arith.constant 0 : i32
      %dma_wait3A_14 = tpu.memref_slice %arg5[%mul3A_0, %dma_wait3A_13] : memref<10112x128xf32, #tpu.memory_space<hbm>> -> memref<632x128xf32, #tpu.memory_space<hbm>>
      tpu.wait_dma2 semaphore(%run_scoped3A : memref<!tpu.dma_semaphore, #tpu.memory_space<semaphore_mem>>) src(%dma_wait3A_14 : memref<632x128xf32, #tpu.memory_space<hbm>>) dst(%dma_wait3A_12 : memref<632x128xf32, #tpu.memory_space<vmem_shared>>)
      tpu.yield
    }) : () -> ()
    %barrier3A = arith.constant 0 : index
    tpu.barrier barrier_id(%barrier3A)
    %mul3A_1 = arith.constant 160 : i32
    %mul3A_2 = arith.muli %arg1, %mul3A_1 : i32
    %scan3A = arith.constant 0 : i32
    %scan3A_3 = arith.constant 0 : i32
    %scan3A_4 = arith.constant 4 : i32
    %scan3A_5 = arith.addi %scan3A_3, %scan3A_4 : i32
    %scan3A_6 = arith.constant 1 : i32
    scf.for %scan3A_9 = %scan3A_3 to %scan3A_5 step %scan3A_6  : i32 {
      %mul3A_10 = arith.constant 40 : i32
      %mul3A_11 = arith.muli %scan3A_9, %mul3A_10 : i32
      %add3A = arith.addi %mul3A_2, %mul3A_11 : i32
      "tpu.region"() ({
        %run_scoped3A = tpu.sem_alloc : memref<!tpu.dma_semaphore, #tpu.memory_space<semaphore_mem>>
        %dma_start3A_52 = arith.constant 0 : i32
        %dma_start3A_53 = tpu.memref_slice %arg3[%add3A, %dma_start3A_52] : memref<2560x128xi32, #tpu.memory_space<hbm>> -> memref<40x128xi32, #tpu.memory_space<hbm>>
        %dma_start3A_54 = arith.constant 0 : i32
        %dma_start3A_55 = tpu.memref_slice %arg3[%add3A, %dma_start3A_54] : memref<2560x128xi32, #tpu.memory_space<hbm>> -> memref<40x128xi32, #tpu.memory_space<hbm>>
        tpu.enqueue_dma source(%dma_start3A_55 : memref<40x128xi32, #tpu.memory_space<hbm>>) target(%arg7 : memref<40x128xi32, #tpu.memory_space<vmem>>) target_semaphore(%run_scoped3A : memref<!tpu.dma_semaphore, #tpu.memory_space<semaphore_mem>>)
        %dma_wait3A_56 = arith.constant 0 : i32
        %dma_wait3A_57 = tpu.memref_slice %arg3[%add3A, %dma_wait3A_56] : memref<2560x128xi32, #tpu.memory_space<hbm>> -> memref<40x128xi32, #tpu.memory_space<hbm>>
        %dma_wait3A_58 = arith.constant 0 : i32
        %dma_wait3A_59 = tpu.memref_slice %arg3[%add3A, %dma_wait3A_58] : memref<2560x128xi32, #tpu.memory_space<hbm>> -> memref<40x128xi32, #tpu.memory_space<hbm>>
        tpu.wait_dma2 semaphore(%run_scoped3A : memref<!tpu.dma_semaphore, #tpu.memory_space<semaphore_mem>>) src(%dma_wait3A_59 : memref<40x128xi32, #tpu.memory_space<hbm>>) dst(%arg7 : memref<40x128xi32, #tpu.memory_space<vmem>>)
        tpu.yield
      }) : () -> ()
      "tpu.region"() ({
        %run_scoped3A = tpu.sem_alloc : memref<!tpu.dma_semaphore, #tpu.memory_space<semaphore_mem>>
        %dma_start3A_52 = arith.constant 0 : i32
        %dma_start3A_53 = tpu.memref_slice %arg4[%add3A, %dma_start3A_52] : memref<2560x128xi32, #tpu.memory_space<hbm>> -> memref<40x128xi32, #tpu.memory_space<hbm>>
        %dma_start3A_54 = arith.constant 0 : i32
        %dma_start3A_55 = tpu.memref_slice %arg4[%add3A, %dma_start3A_54] : memref<2560x128xi32, #tpu.memory_space<hbm>> -> memref<40x128xi32, #tpu.memory_space<hbm>>
        tpu.enqueue_dma source(%dma_start3A_55 : memref<40x128xi32, #tpu.memory_space<hbm>>) target(%arg8 : memref<40x128xi32, #tpu.memory_space<vmem>>) target_semaphore(%run_scoped3A : memref<!tpu.dma_semaphore, #tpu.memory_space<semaphore_mem>>)
        %dma_wait3A_56 = arith.constant 0 : i32
        %dma_wait3A_57 = tpu.memref_slice %arg4[%add3A, %dma_wait3A_56] : memref<2560x128xi32, #tpu.memory_space<hbm>> -> memref<40x128xi32, #tpu.memory_space<hbm>>
        %dma_wait3A_58 = arith.constant 0 : i32
        %dma_wait3A_59 = tpu.memref_slice %arg4[%add3A, %dma_wait3A_58] : memref<2560x128xi32, #tpu.memory_space<hbm>> -> memref<40x128xi32, #tpu.memory_space<hbm>>
        tpu.wait_dma2 semaphore(%run_scoped3A : memref<!tpu.dma_semaphore, #tpu.memory_space<semaphore_mem>>) src(%dma_wait3A_59 : memref<40x128xi32, #tpu.memory_space<hbm>>) dst(%arg8 : memref<40x128xi32, #tpu.memory_space<vmem>>)
        tpu.yield
      }) : () -> ()
      %scan3A_12 = arith.constant 0 : i32
      %scan3A_13 = arith.constant 0 : i32
      %scan3A_14 = arith.constant 320 : i32
      %scan3A_15 = arith.addi %scan3A_13, %scan3A_14 : i32
      %scan3A_16 = arith.constant 1 : i32
      scf.for %scan3A_52 = %scan3A_13 to %scan3A_15 step %scan3A_16  : i32 {
        %div3A = arith.constant 8 : i32
        %div3A_53 = arith.divsi %scan3A_52, %div3A : i32
        %rem3A = arith.constant 8 : i32
        %rem3A_54 = arith.remsi %scan3A_52, %rem3A : i32
        %mul3A_55 = arith.constant 16 : i32
        %mul3A_56 = arith.muli %rem3A_54, %mul3A_55 : i32
        %get3A = arith.constant 0 : i32
        %get3A_57 = tpu.memref_slice %arg7[%div3A_53, %get3A] : memref<40x128xi32, #tpu.memory_space<vmem>> -> memref<1x128xi32, #tpu.memory_space<vmem>>
        %get3A_58 = tpu.memref_squeeze %get3A_57 : memref<1x128xi32, #tpu.memory_space<vmem>> -> memref<128xi32, #tpu.memory_space<vmem>>
        %get3A_59 = arith.index_cast %mul3A_56 : i32 to index
        %get3A_60 = tpu.vector_load %get3A_58[%get3A_59] {strides = array<i32>} : memref<128xi32, #tpu.memory_space<vmem>>, vector<16xi32>,
        %get3A_61 = vector.shape_cast %get3A_60 : vector<16xi32> to vector<16xi32>
        %mul3A_62 = arith.constant 2 : i32
        %mul3A_63 = vector.broadcast %mul3A_62 : i32 to vector<16xi32>
        %mul3A_64 = arith.muli %get3A_61, %mul3A_63 : vector<16xi32>
        %add3A_65 = vector.broadcast %arg0 : i32 to vector<16xi32>
        %add3A_66 = arith.addi %mul3A_64, %add3A_65 : vector<16xi32>
        %swap3A = arith.constant 0 : i32
        %swap3A_67 = tpu.memref_slice %arg7[%div3A_53, %swap3A] : memref<40x128xi32, #tpu.memory_space<vmem>> -> memref<1x128xi32, #tpu.memory_space<vmem>>
        %swap3A_68 = tpu.memref_squeeze %swap3A_67 : memref<1x128xi32, #tpu.memory_space<vmem>> -> memref<128xi32, #tpu.memory_space<vmem>>
        %swap3A_69 = arith.index_cast %mul3A_56 : i32 to index
        %swap3A_70 = tpu.vector_load %swap3A_68[%swap3A_69] {strides = array<i32>} : memref<128xi32, #tpu.memory_space<vmem>>, vector<16xi32>,
        %swap3A_71 = vector.shape_cast %swap3A_70 : vector<16xi32> to vector<16xi32>
        %swap3A_72 = vector.shape_cast %add3A_66 : vector<16xi32> to vector<16xi32>
        tpu.vector_store %swap3A_68[%swap3A_69], %swap3A_72 {strides = array<i32>} : memref<128xi32, #tpu.memory_space<vmem>>, vector<16xi32>,
      }
      %scan3A_17 = arith.constant 320 : i32
      %dma_start3A = arith.constant 0 : i32
      %dma_start3A_18 = arith.constant 0 : i32
      %dma_start3A_19 = arith.constant 0 : i32
      %dma_start3A_20 = arith.constant 0 : i32
      %dma_start3A_21 = arith.constant 0 : i32
      %dma_start3A_22 = tpu.memref_slice %arg9[%dma_start3A_18, %dma_start3A_20, %dma_start3A_21] : memref<2x128x128xf32, #tpu.memory_space<vmem>> -> memref<1x128x128xf32, #tpu.memory_space<vmem>>
      %dma_start3A_23 = tpu.memref_squeeze %dma_start3A_22 : memref<1x128x128xf32, #tpu.memory_space<vmem>> -> memref<128x128xf32, #tpu.memory_space<vmem>>
      %dma_start3A_24 = arith.constant 0 : i32
      %dma_start3A_25 = tpu.memref_slice %arg7[%dma_start3A, %dma_start3A_24] : memref<40x128xi32, #tpu.memory_space<vmem>> -> memref<1x128xi32, #tpu.memory_space<vmem>>
      %dma_start3A_26 = tpu.memref_squeeze %dma_start3A_25 : memref<1x128xi32, #tpu.memory_space<vmem>> -> memref<128xi32, #tpu.memory_space<vmem>>
      %dma_start3A_27 = arith.constant 0 : i32
      %dma_start3A_28 = arith.constant 0 : i32
      %dma_start3A_29 = tpu.memref_slice %arg2[%dma_start3A_27, %dma_start3A_28] : memref<20000x128xf32, #tpu.memory_space<hbm>> -> memref<20000x128xf32, #tpu.memory_space<hbm>>
      %dma_start3A_30 = tpu.memref_slice %arg11[%dma_start3A_19] : memref<2x!tpu.dma_semaphore, #tpu.memory_space<semaphore_mem>> -> memref<1x!tpu.dma_semaphore, #tpu.memory_space<semaphore_mem>>
      %dma_start3A_31 = tpu.memref_squeeze %dma_start3A_30 : memref<1x!tpu.dma_semaphore, #tpu.memory_space<semaphore_mem>> -> memref<!tpu.dma_semaphore, #tpu.memory_space<semaphore_mem>>
      tpu.enqueue_indirect_dma source(%dma_start3A_29 : memref<20000x128xf32, #tpu.memory_space<hbm>>) target(%dma_start3A_23 : memref<128x128xf32, #tpu.memory_space<vmem>>) offsets(%dma_start3A_26 : memref<128xi32, #tpu.memory_space<vmem>>) semaphore(%dma_start3A_31 : memref<!tpu.dma_semaphore, #tpu.memory_space<semaphore_mem>>)
      %scan3A_32 = arith.constant 0 : i32
      %scan3A_33 = arith.constant 0 : i32
      %scan3A_34 = arith.constant 40 : i32
      %scan3A_35 = arith.addi %scan3A_33, %scan3A_34 : i32
      %scan3A_36 = arith.constant 1 : i32
      scf.for %scan3A_52 = %scan3A_33 to %scan3A_35 step %scan3A_36  : i32 {
        %rem3A = arith.constant 2 : i32
        %rem3A_53 = arith.remsi %scan3A_52, %rem3A : i32
        %sub3A = arith.constant 1 : i32
        %sub3A_54 = arith.subi %sub3A, %rem3A_53 : i32
        %ge3A = arith.constant 1 : i32
        %ge3A_55 = arith.cmpi sge, %scan3A_52, %ge3A : i32
        %convert_element_type3A = arith.extui %ge3A_55 : i1 to i32
        %cond3A = arith.constant 0 : i32
        %cond3A_56 = arith.cmpi ne, %convert_element_type3A, %cond3A : i32
        scf.if %cond3A_56 {
          %dma_wait3A_88 = arith.constant 0 : i32
          %dma_wait3A_89 = arith.constant 0 : i32
          %dma_wait3A_90 = arith.constant 0 : i32
          %dma_wait3A_91 = tpu.memref_slice %arg9[%sub3A_54, %dma_wait3A_89, %dma_wait3A_90] : memref<2x128x128xf32, #tpu.memory_space<vmem>> -> memref<1x128x128xf32, #tpu.memory_space<vmem>>
          %dma_wait3A_92 = tpu.memref_squeeze %dma_wait3A_91 : memref<1x128x128xf32, #tpu.memory_space<vmem>> -> memref<128x128xf32, #tpu.memory_space<vmem>>
          %dma_wait3A_93 = arith.constant 0 : i32
          %dma_wait3A_94 = tpu.memref_slice %arg7[%dma_wait3A_88, %dma_wait3A_93] : memref<40x128xi32, #tpu.memory_space<vmem>> -> memref<1x128xi32, #tpu.memory_space<vmem>>
          %dma_wait3A_95 = tpu.memref_squeeze %dma_wait3A_94 : memref<1x128xi32, #tpu.memory_space<vmem>> -> memref<128xi32, #tpu.memory_space<vmem>>
          %dma_wait3A_96 = arith.constant 0 : i32
          %dma_wait3A_97 = arith.constant 0 : i32
          %dma_wait3A_98 = tpu.memref_slice %arg2[%dma_wait3A_96, %dma_wait3A_97] : memref<20000x128xf32, #tpu.memory_space<hbm>> -> memref<20000x128xf32, #tpu.memory_space<hbm>>
          %dma_wait3A_99 = tpu.memref_slice %arg12[%sub3A_54] : memref<2x!tpu.dma_semaphore, #tpu.memory_space<semaphore_mem>> -> memref<1x!tpu.dma_semaphore, #tpu.memory_space<semaphore_mem>>
          %dma_wait3A_100 = tpu.memref_squeeze %dma_wait3A_99 : memref<1x!tpu.dma_semaphore, #tpu.memory_space<semaphore_mem>> -> memref<!tpu.dma_semaphore, #tpu.memory_space<semaphore_mem>>
          tpu.wait_indirect_dma semaphore(%dma_wait3A_100 : memref<!tpu.dma_semaphore, #tpu.memory_space<semaphore_mem>>) src(%dma_wait3A_98 : memref<20000x128xf32, #tpu.memory_space<hbm>>) dst(%dma_wait3A_92 : memref<128x128xf32, #tpu.memory_space<vmem>>)
        } else {
        }
        %add3A_57 = arith.constant 1 : i32
        %add3A_58 = arith.addi %scan3A_52, %add3A_57 : i32
        %lt3A = arith.constant 40 : i32
        %lt3A_59 = arith.cmpi slt, %add3A_58, %lt3A : i32
        %convert_element_type3A_60 = arith.extui %lt3A_59 : i1 to i32
        %cond3A_61 = arith.constant 0 : i32
        %cond3A_62 = arith.cmpi ne, %convert_element_type3A_60, %cond3A_61 : i32
        scf.if %cond3A_62 {
          %add3A_88 = arith.constant 1 : i32
          %add3A_89 = arith.addi %scan3A_52, %add3A_88 : i32
          %dma_start3A_90 = arith.constant 0 : i32
          %dma_start3A_91 = arith.constant 0 : i32
          %dma_start3A_92 = tpu.memref_slice %arg9[%sub3A_54, %dma_start3A_90, %dma_start3A_91] : memref<2x128x128xf32, #tpu.memory_space<vmem>> -> memref<1x128x128xf32, #tpu.memory_space<vmem>>
          %dma_start3A_93 = tpu.memref_squeeze %dma_start3A_92 : memref<1x128x128xf32, #tpu.memory_space<vmem>> -> memref<128x128xf32, #tpu.memory_space<vmem>>
          %dma_start3A_94 = arith.constant 0 : i32
          %dma_start3A_95 = tpu.memref_slice %arg7[%add3A_89, %dma_start3A_94] : memref<40x128xi32, #tpu.memory_space<vmem>> -> memref<1x128xi32, #tpu.memory_space<vmem>>
          %dma_start3A_96 = tpu.memref_squeeze %dma_start3A_95 : memref<1x128xi32, #tpu.memory_space<vmem>> -> memref<128xi32, #tpu.memory_space<vmem>>
          %dma_start3A_97 = arith.constant 0 : i32
          %dma_start3A_98 = arith.constant 0 : i32
          %dma_start3A_99 = tpu.memref_slice %arg2[%dma_start3A_97, %dma_start3A_98] : memref<20000x128xf32, #tpu.memory_space<hbm>> -> memref<20000x128xf32, #tpu.memory_space<hbm>>
          %dma_start3A_100 = tpu.memref_slice %arg11[%sub3A_54] : memref<2x!tpu.dma_semaphore, #tpu.memory_space<semaphore_mem>> -> memref<1x!tpu.dma_semaphore, #tpu.memory_space<semaphore_mem>>
          %dma_start3A_101 = tpu.memref_squeeze %dma_start3A_100 : memref<1x!tpu.dma_semaphore, #tpu.memory_space<semaphore_mem>> -> memref<!tpu.dma_semaphore, #tpu.memory_space<semaphore_mem>>
          tpu.enqueue_indirect_dma source(%dma_start3A_99 : memref<20000x128xf32, #tpu.memory_space<hbm>>) target(%dma_start3A_93 : memref<128x128xf32, #tpu.memory_space<vmem>>) offsets(%dma_start3A_96 : memref<128xi32, #tpu.memory_space<vmem>>) semaphore(%dma_start3A_101 : memref<!tpu.dma_semaphore, #tpu.memory_space<semaphore_mem>>)
        } else {
        }
        %dma_wait3A_63 = arith.constant 0 : i32
        %dma_wait3A_64 = arith.constant 0 : i32
        %dma_wait3A_65 = arith.constant 0 : i32
        %dma_wait3A_66 = tpu.memref_slice %arg9[%rem3A_53, %dma_wait3A_64, %dma_wait3A_65] : memref<2x128x128xf32, #tpu.memory_space<vmem>> -> memref<1x128x128xf32, #tpu.memory_space<vmem>>
        %dma_wait3A_67 = tpu.memref_squeeze %dma_wait3A_66 : memref<1x128x128xf32, #tpu.memory_space<vmem>> -> memref<128x128xf32, #tpu.memory_space<vmem>>
        %dma_wait3A_68 = arith.constant 0 : i32
        %dma_wait3A_69 = tpu.memref_slice %arg7[%dma_wait3A_63, %dma_wait3A_68] : memref<40x128xi32, #tpu.memory_space<vmem>> -> memref<1x128xi32, #tpu.memory_space<vmem>>
        %dma_wait3A_70 = tpu.memref_squeeze %dma_wait3A_69 : memref<1x128xi32, #tpu.memory_space<vmem>> -> memref<128xi32, #tpu.memory_space<vmem>>
        %dma_wait3A_71 = arith.constant 0 : i32
        %dma_wait3A_72 = arith.constant 0 : i32
        %dma_wait3A_73 = tpu.memref_slice %arg2[%dma_wait3A_71, %dma_wait3A_72] : memref<20000x128xf32, #tpu.memory_space<hbm>> -> memref<20000x128xf32, #tpu.memory_space<hbm>>
        %dma_wait3A_74 = tpu.memref_slice %arg11[%rem3A_53] : memref<2x!tpu.dma_semaphore, #tpu.memory_space<semaphore_mem>> -> memref<1x!tpu.dma_semaphore, #tpu.memory_space<semaphore_mem>>
        %dma_wait3A_75 = tpu.memref_squeeze %dma_wait3A_74 : memref<1x!tpu.dma_semaphore, #tpu.memory_space<semaphore_mem>> -> memref<!tpu.dma_semaphore, #tpu.memory_space<semaphore_mem>>
        tpu.wait_indirect_dma semaphore(%dma_wait3A_75 : memref<!tpu.dma_semaphore, #tpu.memory_space<semaphore_mem>>) src(%dma_wait3A_73 : memref<20000x128xf32, #tpu.memory_space<hbm>>) dst(%dma_wait3A_67 : memref<128x128xf32, #tpu.memory_space<vmem>>)
        %dma_start3A_76 = arith.constant 0 : i32
        %dma_start3A_77 = arith.constant 0 : i32
        %dma_start3A_78 = tpu.memref_slice %arg9[%rem3A_53, %dma_start3A_76, %dma_start3A_77] : memref<2x128x128xf32, #tpu.memory_space<vmem>> -> memref<1x128x128xf32, #tpu.memory_space<vmem>>
        %dma_start3A_79 = tpu.memref_squeeze %dma_start3A_78 : memref<1x128x128xf32, #tpu.memory_space<vmem>> -> memref<128x128xf32, #tpu.memory_space<vmem>>
        %dma_start3A_80 = arith.constant 0 : i32
        %dma_start3A_81 = tpu.memref_slice %arg8[%scan3A_52, %dma_start3A_80] : memref<40x128xi32, #tpu.memory_space<vmem>> -> memref<1x128xi32, #tpu.memory_space<vmem>>
        %dma_start3A_82 = tpu.memref_squeeze %dma_start3A_81 : memref<1x128xi32, #tpu.memory_space<vmem>> -> memref<128xi32, #tpu.memory_space<vmem>>
        %dma_start3A_83 = arith.constant 0 : i32
        %dma_start3A_84 = arith.constant 0 : i32
        %dma_start3A_85 = tpu.memref_slice %arg10[%dma_start3A_83, %dma_start3A_84] : memref<10112x128xf32, #tpu.memory_space<vmem_shared>> -> memref<10112x128xf32, #tpu.memory_space<vmem_shared>>
        %dma_start3A_86 = tpu.memref_slice %arg12[%rem3A_53] : memref<2x!tpu.dma_semaphore, #tpu.memory_space<semaphore_mem>> -> memref<1x!tpu.dma_semaphore, #tpu.memory_space<semaphore_mem>>
        %dma_start3A_87 = tpu.memref_squeeze %dma_start3A_86 : memref<1x!tpu.dma_semaphore, #tpu.memory_space<semaphore_mem>> -> memref<!tpu.dma_semaphore, #tpu.memory_space<semaphore_mem>>
        tpu.enqueue_indirect_dma source(%dma_start3A_79 : memref<128x128xf32, #tpu.memory_space<vmem>>) target(%dma_start3A_85 : memref<10112x128xf32, #tpu.memory_space<vmem_shared>>) offsets(%dma_start3A_82 : memref<128xi32, #tpu.memory_space<vmem>>) semaphore(%dma_start3A_87 : memref<!tpu.dma_semaphore, #tpu.memory_space<semaphore_mem>>) {add = true}
      }
      %scan3A_37 = arith.constant 40 : i32
      %dma_wait3A = arith.constant 0 : i32
      %dma_wait3A_38 = arith.constant 1 : i32
      %dma_wait3A_39 = arith.constant 1 : i32
      %dma_wait3A_40 = arith.constant 0 : i32
      %dma_wait3A_41 = arith.constant 0 : i32
      %dma_wait3A_42 = tpu.memref_slice %arg9[%dma_wait3A_38, %dma_wait3A_40, %dma_wait3A_41] : memref<2x128x128xf32, #tpu.memory_space<vmem>> -> memref<1x128x128xf32, #tpu.memory_space<vmem>>
      %dma_wait3A_43 = tpu.memref_squeeze %dma_wait3A_42 : memref<1x128x128xf32, #tpu.memory_space<vmem>> -> memref<128x128xf32, #tpu.memory_space<vmem>>
      %dma_wait3A_44 = arith.constant 0 : i32
      %dma_wait3A_45 = tpu.memref_slice %arg7[%dma_wait3A, %dma_wait3A_44] : memref<40x128xi32, #tpu.memory_space<vmem>> -> memref<1x128xi32, #tpu.memory_space<vmem>>
      %dma_wait3A_46 = tpu.memref_squeeze %dma_wait3A_45 : memref<1x128xi32, #tpu.memory_space<vmem>> -> memref<128xi32, #tpu.memory_space<vmem>>
      %dma_wait3A_47 = arith.constant 0 : i32
      %dma_wait3A_48 = arith.constant 0 : i32
      %dma_wait3A_49 = tpu.memref_slice %arg2[%dma_wait3A_47, %dma_wait3A_48] : memref<20000x128xf32, #tpu.memory_space<hbm>> -> memref<20000x128xf32, #tpu.memory_space<hbm>>
      %dma_wait3A_50 = tpu.memref_slice %arg12[%dma_wait3A_39] : memref<2x!tpu.dma_semaphore, #tpu.memory_space<semaphore_mem>> -> memref<1x!tpu.dma_semaphore, #tpu.memory_space<semaphore_mem>>
      %dma_wait3A_51 = tpu.memref_squeeze %dma_wait3A_50 : memref<1x!tpu.dma_semaphore, #tpu.memory_space<semaphore_mem>> -> memref<!tpu.dma_semaphore, #tpu.memory_space<semaphore_mem>>
      tpu.wait_indirect_dma semaphore(%dma_wait3A_51 : memref<!tpu.dma_semaphore, #tpu.memory_space<semaphore_mem>>) src(%dma_wait3A_49 : memref<20000x128xf32, #tpu.memory_space<hbm>>) dst(%dma_wait3A_43 : memref<128x128xf32, #tpu.memory_space<vmem>>)
    }
    %scan3A_7 = arith.constant 4 : i32
    %barrier3A_8 = arith.constant 0 : index
    tpu.barrier barrier_id(%barrier3A_8)
    "tpu.region"() ({
      %run_scoped3A = tpu.sem_alloc : memref<!tpu.dma_semaphore, #tpu.memory_space<semaphore_mem>>
      %dma_start3A = arith.constant 0 : i32
      %dma_start3A_9 = tpu.memref_slice %arg6[%arg0, %mul3A_0, %dma_start3A] : memref<2x10112x128xf32, #tpu.memory_space<hbm>> -> memref<1x632x128xf32, #tpu.memory_space<hbm>>
      %dma_start3A_10 = tpu.memref_squeeze %dma_start3A_9 : memref<1x632x128xf32, #tpu.memory_space<hbm>> -> memref<632x128xf32, #tpu.memory_space<hbm>>
      %dma_start3A_11 = arith.constant 0 : i32
      %dma_start3A_12 = tpu.memref_slice %arg10[%mul3A_0, %dma_start3A_11] : memref<10112x128xf32, #tpu.memory_space<vmem_shared>> -> memref<632x128xf32, #tpu.memory_space<vmem_shared>>
      tpu.enqueue_dma source(%dma_start3A_12 : memref<632x128xf32, #tpu.memory_space<vmem_shared>>) target(%dma_start3A_10 : memref<632x128xf32, #tpu.memory_space<hbm>>) target_semaphore(%run_scoped3A : memref<!tpu.dma_semaphore, #tpu.memory_space<semaphore_mem>>)
      %dma_wait3A = arith.constant 0 : i32
      %dma_wait3A_13 = tpu.memref_slice %arg6[%arg0, %mul3A_0, %dma_wait3A] : memref<2x10112x128xf32, #tpu.memory_space<hbm>> -> memref<1x632x128xf32, #tpu.memory_space<hbm>>
      %dma_wait3A_14 = tpu.memref_squeeze %dma_wait3A_13 : memref<1x632x128xf32, #tpu.memory_space<hbm>> -> memref<632x128xf32, #tpu.memory_space<hbm>>
      %dma_wait3A_15 = arith.constant 0 : i32
      %dma_wait3A_16 = tpu.memref_slice %arg10[%mul3A_0, %dma_wait3A_15] : memref<10112x128xf32, #tpu.memory_space<vmem_shared>> -> memref<632x128xf32, #tpu.memory_space<vmem_shared>>
      tpu.wait_dma2 semaphore(%run_scoped3A : memref<!tpu.dma_semaphore, #tpu.memory_space<semaphore_mem>>) src(%dma_wait3A_16 : memref<632x128xf32, #tpu.memory_space<vmem_shared>>) dst(%dma_wait3A_14 : memref<632x128xf32, #tpu.memory_space<hbm>>)
      tpu.yield
    }) : () -> ()
    return
  }
}

module attributes {stable_mosaic.version = 14 : i64} {
  func.func @_tcr_body(%arg0: i32, %arg1: memref<2000x128xf32, #tpu.memory_space<vmem>>, %arg2: memref<256x128xf32, #tpu.memory_space<vmem>>, %arg3: memref<1x256xf32, #tpu.memory_space<vmem>>, %arg4: memref<2000x256xf32, #tpu.memory_space<vmem>>) attributes {dimension_semantics = [#tpu.dimension_semantics<arbitrary>], iteration_bounds = array<i64: 5>, scalar_prefetch = 0 : i64, scratch_operands = 0 : i64, tpu.core_type = #tpu.core_type<tc>, window_params = [{transform_indices = @transform_0, window_bounds = array<i64: 2000, 128>}, {pipeline_mode = #tpu.pipeline_mode<synchronous>, transform_indices = @transform_1, window_bounds = array<i64: 256, 128>}, {pipeline_mode = #tpu.pipeline_mode<synchronous>, transform_indices = @transform_2, window_bounds = array<i64: 1, 256>}, {transform_indices = @transform_3, window_bounds = array<i64: 2000, 256>}]} {
    %get3A = arith.constant 0 : index
    %get3A_0 = arith.constant 0 : index
    %get3A_1 = vector.load %arg1[%get3A, %get3A_0] : memref<2000x128xf32, #tpu.memory_space<vmem>>, vector<2000x128xf32>
    %get3A_2 = arith.constant 0 : index
    %get3A_3 = arith.constant 0 : index
    %get3A_4 = vector.load %arg2[%get3A_2, %get3A_3] : memref<256x128xf32, #tpu.memory_space<vmem>>, vector<256x128xf32>
    %dot_general3A = arith.constant dense<0.000000e+00> : vector<2000x256xf32>
    %dot_general3A_5 = tpu.matmul %get3A_1, %get3A_4, %dot_general3A {dimension_numbers = #tpu.dot_dimension_numbers<[1], [1], [0], [0], [0, 0, 1, 0], [], []>, transpose_lhs_hint = false} : vector<2000x128xf32>, vector<256x128xf32>, vector<2000x256xf32> -> vector<2000x256xf32>
    %get3A_6 = arith.constant 0 : index
    %get3A_7 = arith.constant 0 : index
    %get3A_8 = vector.load %arg3[%get3A_6, %get3A_7] : memref<1x256xf32, #tpu.memory_space<vmem>>, vector<1x256xf32>
    %add3A = vector.broadcast %get3A_8 : vector<1x256xf32> to vector<2000x256xf32>
    %add3A_9 = arith.addf %dot_general3A_5, %add3A : vector<2000x256xf32>
    %swap3A = arith.constant 0 : index
    %swap3A_10 = arith.constant 0 : index
    %swap3A_11 = vector.load %arg4[%swap3A, %swap3A_10] : memref<2000x256xf32, #tpu.memory_space<vmem>>, vector<2000x256xf32>
    tpu.vector_store %arg4[%swap3A, %swap3A_10], %add3A_9 {strides = array<i32>} : memref<2000x256xf32, #tpu.memory_space<vmem>>, vector<2000x256xf32>,
    return
  }
  func.func @transform_0(%arg0: i32) -> (i32, i32) {
    %c0_i32 = arith.constant 0 : i32
    %c0_i32_0 = arith.constant 0 : i32
    return %arg0, %c0_i32 : i32, i32
  }
  func.func @transform_1(%arg0: i32) -> (i32, i32) {
    %c0_i32 = arith.constant 0 : i32
    %c0_i32_0 = arith.constant 0 : i32
    %c0_i32_1 = arith.constant 0 : i32
    return %c0_i32, %c0_i32_0 : i32, i32
  }
  func.func @transform_2(%arg0: i32) -> (i32, i32) {
    %c0_i32 = arith.constant 0 : i32
    %c0_i32_0 = arith.constant 0 : i32
    %c0_i32_1 = arith.constant 0 : i32
    return %c0_i32, %c0_i32_0 : i32, i32
  }
  func.func @transform_3(%arg0: i32) -> (i32, i32) {
    %c0_i32 = arith.constant 0 : i32
    %c0_i32_0 = arith.constant 0 : i32
    return %arg0, %c0_i32 : i32, i32
  }
}

module attributes {stable_mosaic.version = 14 : i64} {
  func.func @_tc1_body(%arg0: i32, %arg1: memref<2x2000x128xf32, #tpu.memory_space<vmem>>, %arg2: memref<2x2000x128xf32, #tpu.memory_space<vmem>>, %arg3: memref<2000x256xf32, #tpu.memory_space<vmem>>, %arg4: memref<256x128xf32, #tpu.memory_space<vmem>>, %arg5: memref<2000x256xf32, #tpu.memory_space<vmem>>) attributes {dimension_semantics = [#tpu.dimension_semantics<arbitrary>], iteration_bounds = array<i64: 5>, scalar_prefetch = 0 : i64, scratch_operands = 0 : i64, tpu.core_type = #tpu.core_type<tc>, window_params = [{transform_indices = @transform_0, window_bounds = array<i64: 2, 2000, 128>}, {transform_indices = @transform_1, window_bounds = array<i64: 2, 2000, 128>}, {transform_indices = @transform_2, window_bounds = array<i64: 2000, 256>}, {pipeline_mode = #tpu.pipeline_mode<synchronous>, transform_indices = @transform_3, window_bounds = array<i64: 256, 128>}, {transform_indices = @transform_4, window_bounds = array<i64: 2000, 256>}]} {
    %get3A = arith.constant 0 : index
    %get3A_0 = arith.constant 0 : index
    %get3A_1 = arith.constant 0 : index
    %get3A_2 = vector.load %arg2[%get3A, %get3A_0, %get3A_1] : memref<2x2000x128xf32, #tpu.memory_space<vmem>>, vector<1x2000x1xf32>
    %get3A_3 = vector.shape_cast %get3A_2 : vector<1x2000x1xf32> to vector<2000x1xf32>
    %get3A_4 = arith.constant 1 : index
    %get3A_5 = arith.constant 0 : index
    %get3A_6 = arith.constant 0 : index
    %get3A_7 = vector.load %arg2[%get3A_4, %get3A_5, %get3A_6] : memref<2x2000x128xf32, #tpu.memory_space<vmem>>, vector<1x2000x1xf32>
    %get3A_8 = vector.shape_cast %get3A_7 : vector<1x2000x1xf32> to vector<2000x1xf32>
    %add3A = arith.addf %get3A_3, %get3A_8 : vector<2000x1xf32>
    %max3A = arith.constant 1.000000e+00 : f32
    %max3A_9 = vector.broadcast %max3A : f32 to vector<2000x1xf32>
    %max3A_10 = arith.maximumf %add3A, %max3A_9 : vector<2000x1xf32>
    %div3A = arith.constant 1.000000e+00 : f32
    %div3A_11 = vector.broadcast %div3A : f32 to vector<2000x1xf32>
    %div3A_12 = arith.divf %div3A_11, %max3A_10 : vector<2000x1xf32>
    %get3A_13 = arith.constant 0 : index
    %get3A_14 = arith.constant 0 : index
    %get3A_15 = arith.constant 0 : index
    %get3A_16 = vector.load %arg1[%get3A_13, %get3A_14, %get3A_15] : memref<2x2000x128xf32, #tpu.memory_space<vmem>>, vector<1x2000x128xf32>
    %get3A_17 = vector.shape_cast %get3A_16 : vector<1x2000x128xf32> to vector<2000x128xf32>
    %get3A_18 = arith.constant 1 : index
    %get3A_19 = arith.constant 0 : index
    %get3A_20 = arith.constant 0 : index
    %get3A_21 = vector.load %arg1[%get3A_18, %get3A_19, %get3A_20] : memref<2x2000x128xf32, #tpu.memory_space<vmem>>, vector<1x2000x128xf32>
    %get3A_22 = vector.shape_cast %get3A_21 : vector<1x2000x128xf32> to vector<2000x128xf32>
    %add3A_23 = arith.addf %get3A_17, %get3A_22 : vector<2000x128xf32>
    %mul3A = vector.broadcast %div3A_12 : vector<2000x1xf32> to vector<2000x128xf32>
    %mul3A_24 = arith.mulf %add3A_23, %mul3A : vector<2000x128xf32>
    %get3A_25 = arith.constant 0 : index
    %get3A_26 = arith.constant 0 : index
    %get3A_27 = vector.load %arg4[%get3A_25, %get3A_26] : memref<256x128xf32, #tpu.memory_space<vmem>>, vector<256x128xf32>
    %dot_general3A = arith.constant dense<0.000000e+00> : vector<2000x256xf32>
    %dot_general3A_28 = tpu.matmul %mul3A_24, %get3A_27, %dot_general3A {dimension_numbers = #tpu.dot_dimension_numbers<[1], [1], [0], [0], [0, 0, 1, 0], [], []>, transpose_lhs_hint = false} : vector<2000x128xf32>, vector<256x128xf32>, vector<2000x256xf32> -> vector<2000x256xf32>
    %get3A_29 = arith.constant 0 : index
    %get3A_30 = arith.constant 0 : index
    %get3A_31 = vector.load %arg3[%get3A_29, %get3A_30] : memref<2000x256xf32, #tpu.memory_space<vmem>>, vector<2000x256xf32>
    %add3A_32 = arith.addf %dot_general3A_28, %get3A_31 : vector<2000x256xf32>
    %max3A_33 = arith.constant 0.000000e+00 : f32
    %max3A_34 = vector.broadcast %max3A_33 : f32 to vector<2000x256xf32>
    %max3A_35 = arith.maximumf %add3A_32, %max3A_34 : vector<2000x256xf32>
    %swap3A = arith.constant 0 : index
    %swap3A_36 = arith.constant 0 : index
    %swap3A_37 = vector.load %arg5[%swap3A, %swap3A_36] : memref<2000x256xf32, #tpu.memory_space<vmem>>, vector<2000x256xf32>
    tpu.vector_store %arg5[%swap3A, %swap3A_36], %max3A_35 {strides = array<i32>} : memref<2000x256xf32, #tpu.memory_space<vmem>>, vector<2000x256xf32>,
    return
  }
  func.func @transform_0(%arg0: i32) -> (i32, i32, i32) {
    %c0_i32 = arith.constant 0 : i32
    %c0_i32_0 = arith.constant 0 : i32
    %c0_i32_1 = arith.constant 0 : i32
    return %c0_i32, %arg0, %c0_i32_0 : i32, i32, i32
  }
  func.func @transform_1(%arg0: i32) -> (i32, i32, i32) {
    %c0_i32 = arith.constant 0 : i32
    %c0_i32_0 = arith.constant 0 : i32
    %c0_i32_1 = arith.constant 0 : i32
    return %c0_i32, %arg0, %c0_i32_0 : i32, i32, i32
  }
  func.func @transform_2(%arg0: i32) -> (i32, i32) {
    %c0_i32 = arith.constant 0 : i32
    %c0_i32_0 = arith.constant 0 : i32
    return %arg0, %c0_i32 : i32, i32
  }
  func.func @transform_3(%arg0: i32) -> (i32, i32) {
    %c0_i32 = arith.constant 0 : i32
    %c0_i32_0 = arith.constant 0 : i32
    %c0_i32_1 = arith.constant 0 : i32
    return %c0_i32, %c0_i32_0 : i32, i32
  }
  func.func @transform_4(%arg0: i32) -> (i32, i32) {
    %c0_i32 = arith.constant 0 : i32
    %c0_i32_0 = arith.constant 0 : i32
    return %arg0, %c0_i32 : i32, i32
  }
}

module attributes {stable_mosaic.version = 14 : i64} {
  func.func @_tcr_body(%arg0: i32, %arg1: memref<2000x256xf32, #tpu.memory_space<vmem>>, %arg2: memref<256x256xf32, #tpu.memory_space<vmem>>, %arg3: memref<1x256xf32, #tpu.memory_space<vmem>>, %arg4: memref<2000x256xf32, #tpu.memory_space<vmem>>) attributes {dimension_semantics = [#tpu.dimension_semantics<arbitrary>], iteration_bounds = array<i64: 5>, scalar_prefetch = 0 : i64, scratch_operands = 0 : i64, tpu.core_type = #tpu.core_type<tc>, window_params = [{transform_indices = @transform_0, window_bounds = array<i64: 2000, 256>}, {pipeline_mode = #tpu.pipeline_mode<synchronous>, transform_indices = @transform_1, window_bounds = array<i64: 256, 256>}, {pipeline_mode = #tpu.pipeline_mode<synchronous>, transform_indices = @transform_2, window_bounds = array<i64: 1, 256>}, {transform_indices = @transform_3, window_bounds = array<i64: 2000, 256>}]} {
    %get3A = arith.constant 0 : index
    %get3A_0 = arith.constant 0 : index
    %get3A_1 = vector.load %arg1[%get3A, %get3A_0] : memref<2000x256xf32, #tpu.memory_space<vmem>>, vector<2000x256xf32>
    %get3A_2 = arith.constant 0 : index
    %get3A_3 = arith.constant 0 : index
    %get3A_4 = vector.load %arg2[%get3A_2, %get3A_3] : memref<256x256xf32, #tpu.memory_space<vmem>>, vector<256x256xf32>
    %dot_general3A = arith.constant dense<0.000000e+00> : vector<2000x256xf32>
    %dot_general3A_5 = tpu.matmul %get3A_1, %get3A_4, %dot_general3A {dimension_numbers = #tpu.dot_dimension_numbers<[1], [1], [0], [0], [0, 0, 1, 0], [], []>, transpose_lhs_hint = false} : vector<2000x256xf32>, vector<256x256xf32>, vector<2000x256xf32> -> vector<2000x256xf32>
    %get3A_6 = arith.constant 0 : index
    %get3A_7 = arith.constant 0 : index
    %get3A_8 = vector.load %arg3[%get3A_6, %get3A_7] : memref<1x256xf32, #tpu.memory_space<vmem>>, vector<1x256xf32>
    %add3A = vector.broadcast %get3A_8 : vector<1x256xf32> to vector<2000x256xf32>
    %add3A_9 = arith.addf %dot_general3A_5, %add3A : vector<2000x256xf32>
    %swap3A = arith.constant 0 : index
    %swap3A_10 = arith.constant 0 : index
    %swap3A_11 = vector.load %arg4[%swap3A, %swap3A_10] : memref<2000x256xf32, #tpu.memory_space<vmem>>, vector<2000x256xf32>
    tpu.vector_store %arg4[%swap3A, %swap3A_10], %add3A_9 {strides = array<i32>} : memref<2000x256xf32, #tpu.memory_space<vmem>>, vector<2000x256xf32>,
    return
  }
  func.func @transform_0(%arg0: i32) -> (i32, i32) {
    %c0_i32 = arith.constant 0 : i32
    %c0_i32_0 = arith.constant 0 : i32
    return %arg0, %c0_i32 : i32, i32
  }
  func.func @transform_1(%arg0: i32) -> (i32, i32) {
    %c0_i32 = arith.constant 0 : i32
    %c0_i32_0 = arith.constant 0 : i32
    %c0_i32_1 = arith.constant 0 : i32
    return %c0_i32, %c0_i32_0 : i32, i32
  }
  func.func @transform_2(%arg0: i32) -> (i32, i32) {
    %c0_i32 = arith.constant 0 : i32
    %c0_i32_0 = arith.constant 0 : i32
    %c0_i32_1 = arith.constant 0 : i32
    return %c0_i32, %c0_i32_0 : i32, i32
  }
  func.func @transform_3(%arg0: i32) -> (i32, i32) {
    %c0_i32 = arith.constant 0 : i32
    %c0_i32_0 = arith.constant 0 : i32
    return %arg0, %c0_i32 : i32, i32
  }
}

module attributes {stable_mosaic.version = 14 : i64} {
  func.func @_tc2_body(%arg0: i32, %arg1: memref<2x2000x128xf32, #tpu.memory_space<vmem>>, %arg2: memref<2x2000x128xf32, #tpu.memory_space<vmem>>, %arg3: memref<2000x256xf32, #tpu.memory_space<vmem>>, %arg4: memref<256x128xf32, #tpu.memory_space<vmem>>, %arg5: memref<256x128xf32, #tpu.memory_space<vmem>>, %arg6: memref<2000x256xf32, #tpu.memory_space<vmem>>) attributes {dimension_semantics = [#tpu.dimension_semantics<arbitrary>], iteration_bounds = array<i64: 5>, scalar_prefetch = 0 : i64, scratch_operands = 0 : i64, tpu.core_type = #tpu.core_type<tc>, window_params = [{transform_indices = @transform_0, window_bounds = array<i64: 2, 2000, 128>}, {transform_indices = @transform_1, window_bounds = array<i64: 2, 2000, 128>}, {transform_indices = @transform_2, window_bounds = array<i64: 2000, 256>}, {pipeline_mode = #tpu.pipeline_mode<synchronous>, transform_indices = @transform_3, window_bounds = array<i64: 256, 128>}, {pipeline_mode = #tpu.pipeline_mode<synchronous>, transform_indices = @transform_4, window_bounds = array<i64: 256, 128>}, {transform_indices = @transform_5, window_bounds = array<i64: 2000, 256>}]} {
    %get3A = arith.constant 0 : index
    %get3A_0 = arith.constant 0 : index
    %get3A_1 = arith.constant 0 : index
    %get3A_2 = vector.load %arg2[%get3A, %get3A_0, %get3A_1] : memref<2x2000x128xf32, #tpu.memory_space<vmem>>, vector<1x2000x1xf32>
    %get3A_3 = vector.shape_cast %get3A_2 : vector<1x2000x1xf32> to vector<2000x1xf32>
    %get3A_4 = arith.constant 1 : index
    %get3A_5 = arith.constant 0 : index
    %get3A_6 = arith.constant 0 : index
    %get3A_7 = vector.load %arg2[%get3A_4, %get3A_5, %get3A_6] : memref<2x2000x128xf32, #tpu.memory_space<vmem>>, vector<1x2000x1xf32>
    %get3A_8 = vector.shape_cast %get3A_7 : vector<1x2000x1xf32> to vector<2000x1xf32>
    %add3A = arith.addf %get3A_3, %get3A_8 : vector<2000x1xf32>
    %max3A = arith.constant 1.000000e+00 : f32
    %max3A_9 = vector.broadcast %max3A : f32 to vector<2000x1xf32>
    %max3A_10 = arith.maximumf %add3A, %max3A_9 : vector<2000x1xf32>
    %div3A = arith.constant 1.000000e+00 : f32
    %div3A_11 = vector.broadcast %div3A : f32 to vector<2000x1xf32>
    %div3A_12 = arith.divf %div3A_11, %max3A_10 : vector<2000x1xf32>
    %get3A_13 = arith.constant 0 : index
    %get3A_14 = arith.constant 0 : index
    %get3A_15 = arith.constant 0 : index
    %get3A_16 = vector.load %arg1[%get3A_13, %get3A_14, %get3A_15] : memref<2x2000x128xf32, #tpu.memory_space<vmem>>, vector<1x2000x128xf32>
    %get3A_17 = vector.shape_cast %get3A_16 : vector<1x2000x128xf32> to vector<2000x128xf32>
    %mul3A = vector.broadcast %div3A_12 : vector<2000x1xf32> to vector<2000x128xf32>
    %mul3A_18 = arith.mulf %get3A_17, %mul3A : vector<2000x128xf32>
    %get3A_19 = arith.constant 0 : index
    %get3A_20 = arith.constant 0 : index
    %get3A_21 = vector.load %arg4[%get3A_19, %get3A_20] : memref<256x128xf32, #tpu.memory_space<vmem>>, vector<256x128xf32>
    %dot_general3A = arith.constant dense<0.000000e+00> : vector<2000x256xf32>
    %dot_general3A_22 = tpu.matmul %mul3A_18, %get3A_21, %dot_general3A {dimension_numbers = #tpu.dot_dimension_numbers<[1], [1], [0], [0], [0, 0, 1, 0], [], []>, transpose_lhs_hint = false} : vector<2000x128xf32>, vector<256x128xf32>, vector<2000x256xf32> -> vector<2000x256xf32>
    %get3A_23 = arith.constant 1 : index
    %get3A_24 = arith.constant 0 : index
    %get3A_25 = arith.constant 0 : index
    %get3A_26 = vector.load %arg1[%get3A_23, %get3A_24, %get3A_25] : memref<2x2000x128xf32, #tpu.memory_space<vmem>>, vector<1x2000x128xf32>
    %get3A_27 = vector.shape_cast %get3A_26 : vector<1x2000x128xf32> to vector<2000x128xf32>
    %mul3A_28 = vector.broadcast %div3A_12 : vector<2000x1xf32> to vector<2000x128xf32>
    %mul3A_29 = arith.mulf %get3A_27, %mul3A_28 : vector<2000x128xf32>
    %get3A_30 = arith.constant 0 : index
    %get3A_31 = arith.constant 0 : index
    %get3A_32 = vector.load %arg5[%get3A_30, %get3A_31] : memref<256x128xf32, #tpu.memory_space<vmem>>, vector<256x128xf32>
    %dot_general3A_33 = arith.constant dense<0.000000e+00> : vector<2000x256xf32>
    %dot_general3A_34 = tpu.matmul %mul3A_29, %get3A_32, %dot_general3A_33 {dimension_numbers = #tpu.dot_dimension_numbers<[1], [1], [0], [0], [0, 0, 1, 0], [], []>, transpose_lhs_hint = false} : vector<2000x128xf32>, vector<256x128xf32>, vector<2000x256xf32> -> vector<2000x256xf32>
    %add3A_35 = arith.addf %dot_general3A_22, %dot_general3A_34 : vector<2000x256xf32>
    %get3A_36 = arith.constant 0 : index
    %get3A_37 = arith.constant 0 : index
    %get3A_38 = vector.load %arg3[%get3A_36, %get3A_37] : memref<2000x256xf32, #tpu.memory_space<vmem>>, vector<2000x256xf32>
    %add3A_39 = arith.addf %add3A_35, %get3A_38 : vector<2000x256xf32>
    %swap3A = arith.constant 0 : index
    %swap3A_40 = arith.constant 0 : index
    %swap3A_41 = vector.load %arg6[%swap3A, %swap3A_40] : memref<2000x256xf32, #tpu.memory_space<vmem>>, vector<2000x256xf32>
    tpu.vector_store %arg6[%swap3A, %swap3A_40], %add3A_39 {strides = array<i32>} : memref<2000x256xf32, #tpu.memory_space<vmem>>, vector<2000x256xf32>,
    return
  }
  func.func @transform_0(%arg0: i32) -> (i32, i32, i32) {
    %c0_i32 = arith.constant 0 : i32
    %c0_i32_0 = arith.constant 0 : i32
    %c0_i32_1 = arith.constant 0 : i32
    return %c0_i32, %arg0, %c0_i32_0 : i32, i32, i32
  }
  func.func @transform_1(%arg0: i32) -> (i32, i32, i32) {
    %c0_i32 = arith.constant 0 : i32
    %c0_i32_0 = arith.constant 0 : i32
    %c0_i32_1 = arith.constant 0 : i32
    return %c0_i32, %arg0, %c0_i32_0 : i32, i32, i32
  }
  func.func @transform_2(%arg0: i32) -> (i32, i32) {
    %c0_i32 = arith.constant 0 : i32
    %c0_i32_0 = arith.constant 0 : i32
    return %arg0, %c0_i32 : i32, i32
  }
  func.func @transform_3(%arg0: i32) -> (i32, i32) {
    %c0_i32 = arith.constant 0 : i32
    %c0_i32_0 = arith.constant 0 : i32
    %c0_i32_1 = arith.constant 0 : i32
    return %c0_i32, %c0_i32_0 : i32, i32
  }
  func.func @transform_4(%arg0: i32) -> (i32, i32) {
    %c0_i32 = arith.constant 0 : i32
    %c0_i32_0 = arith.constant 0 : i32
    %c0_i32_1 = arith.constant 0 : i32
    return %c0_i32, %c0_i32_0 : i32, i32
  }
  func.func @transform_5(%arg0: i32) -> (i32, i32) {
    %c0_i32 = arith.constant 0 : i32
    %c0_i32_0 = arith.constant 0 : i32
    return %arg0, %c0_i32 : i32, i32
  }
}

</mosaic_0001>

<sc_bundles>
// kernel: kernel.12.cloned.1.call-start
scs
__scs_entry_jumppad:
0x0: {  	(pc) =	sbr.rel $0x88, $3  }
0x1: {  	(tag) =	ssettag $0x0;
	lr =	simm.s32 $0x1  }
0x2: {  	[smem:$0x3F99] =	sst lr;
	_ =	strace $0xD0000000  }
0x3: {  	_ = 	snop  }
0x4: {  	_ = 	snop  }
0x5: {  	_ = 	snop  }
0x6: {  	_ = 	snop  }
0x7: {  	_ = 	snop  }
__scs_overlays_trampoline_lowered:
0x8: {  	[smem:$0x3FA8] =	sst s0  }
0x9: {  	[smem:$0x3FA9] =	sst s1  }
0xa: {  	[smem:$0x3FAA] =	sst s2  }
0xb: {  	[smem:$0x3FAB] =	sst s3  }
0xc: {  	[smem:$0x3FAC] =	sst s4  }
0xd: {  	[smem:$0x3FAD] =	sst s5  }
0xe: {  	[smem:$0x3FAE] =	sst s6  }
0xf: {  	[smem:$0x3FAF] =	sst s7  }
0x10: {  	[smem:$0x3FB0] =	sst s8  }
0x11: {  	[smem:$0x3FB1] =	sst s9;
	s0 =	simm.s32 @!p0 $0x0  }
0x12: {  	s1 =	sld [smem:$0x3F97];
	s0 =	simm.s32 @p0 $0x1  }
0x13: {  	[smem:$0x3FB2] =	sst s0;
	s0 =	simm.s32 @!p1 $0x0  }
0x14: {  	s2 =	sld [smem:$0x3F96];
	s0 =	simm.s32 @p1 $0x1  }
0x15: {  	[smem:$0x3FB3] =	sst s0;
	s0 =	simm.s32 @!p2 $0x0  }
0x16: {  	s3 =	sld [smem:$0x3FDB];
	s0 =	simm.s32 @p2 $0x1  }
0x17: {  	s4 =	simm.s32 $0x1BF5;
	[smem:$0x3FB5] =	sst s0  }
0x18: {  	s0 =	sld [smem:$0x3F98];
	_ =	swait.ge [sflag:s4], $0x0  }
0x19: {  	s7 =	sld [smem:$0x3F99]  }
0x1a: {  	s8 =	sadd.s32 $0xFFFFE003, lr  }
0x1b: {  	s9 =	sadd.s32 $0xFFFFFEF7, lr;
	s5 =	simm.s32 $0xFFFFFFFF;
	p2 =	slt.u32 s8, $0xFFFFF086  }
0x1c: {  	p1 =	slt.u32 s9, $0xF7A;
	s5 =	simm.s32 @!p2 $0x0  }
0x1d: {  	s5 =	simm.s32 @p1 $0x1;
	p0 =	seq.s32 s7, s2  }
0x1e: {  	s7 =	smul.u32 @!p0 $0xF7A, s2;
	p2 =	seq.s32 @!p0 s5, $0x0  }
0x1f: {  	s9 =	smul.u32 $0xF7A, s1;
	s8 =	simm.s32 @!p0 $0x1BF5;
	p2 =	por !p2, p0  }
0x20: {  	[sflag:s8] =	ssyncset.s32 @!p0 $0xFFFFF086;
	s6 =	sadd.s32 @!p0 s3, s7;
	s7 =	simm.s32 @!p0 $0x108  }
0x21: {  	s3 =	sadd.s32 s3, s9;
	s6 =	sadd.s32 @!p0 $0x88, s6;
	s7 =	simm.s32 @p2 $0x1082  }
0x22: {  	[simem:s7], [sflag:s8] =	dma.local @!p0 [hbm:s6], $0xF7A  }
0x23: {  	s9 =	sor.u32 $0xD0000000, s2;
	s6 =	simm.s32 $0x108;
	_ =	swait.ge @!p0 [sflag:s8], $0x0  }
0x24: {  	s3 =	sadd.s32 $0x88, s3;
	s6 =	simm.s32 @!p1 $0x1082;
	[sflag:s4] =	ssyncset.s32 $0xFFFFF086  }
0x25: {  	[simem:s6], [sflag:s4] =	dma.local [hbm:s3], $0xF7A  }
0x26: {  	[smem:$0x3F99] =	sst s1;
	(tag) =	ssettag s2;
	_ =	strace s9  }
0x27: {  	s1 =	sld [smem:$0x3FA9]  }
0x28: {  	s2 =	sld [smem:$0x3FAA]  }
0x29: {  	s4 =	sld [smem:$0x3FAC]  }
0x2a: {  	p0 =	seq.s32 s5, $0x0;
	s5 =	sld [smem:$0x3FAD]  }
0x2b: {  	s6 =	sld [smem:$0x3FAE]  }
0x2c: {  	s7 =	sld [smem:$0x3FAF]  }
0x2d: {  	s3 =	simm.s32 $0x108;
	s8 =	sld [smem:$0x3FB0]  }
0x2e: {  	s3 =	simm.s32 @!p0 $0x1082;
	s9 =	sld [smem:$0x3FB1]  }
0x2f: {  	lr =	sadd.s32 s0, s3;
	s0 =	sld [smem:$0x3FA8]  }
0x30: {  	s3 =	sld [smem:$0x3FAB]  }
0x31: {  	[smem:$0x3FB4] =	sst s10  }
0x32: {  	s10 =	sld [smem:$0x3FB2];
	_ =	sdelay $0x3  }
0x33: {  	p0 =	seq.s32 s10, $0x1;
	s10 =	sld [smem:$0x3FB4];
	_ =	sdelay $0x3  }
0x34: {  	[smem:$0x3FB4] =	sst s10  }
0x35: {  	s10 =	sld [smem:$0x3FB3];
	_ =	sdelay $0x3  }
0x36: {  	p1 =	seq.s32 s10, $0x1;
	s10 =	sld [smem:$0x3FB4];
	_ =	sdelay $0x3  }
0x37: {  	[smem:$0x3FB4] =	sst s10  }
0x38: {  	s10 =	sld [smem:$0x3FB5]  }
0x39: {  	_ = 	snop;
	(pc) =	sbr.ind lr, $3  }
0x3a: {  	_ = 	snop  }
0x3b: {  	_ = 	snop  }
0x3c: {  	p2 =	seq.s32 s10, $0x1;
	s10 =	sld [smem:$0x3FB4]  }
0x3d: {  	_ =	shalt  }
0x3e: {  	_ =	shalt  }
0x3f: {  	_ =	shalt  }
0x40: {  	_ =	shalt  }
0x41: {  	_ =	shalt  }
0x42: {  	_ =	shalt  }
0x43: {  	_ =	shalt  }
0x44: {  	_ =	shalt  }
0x45: {  	_ =	shalt  }
0x46: {  	_ =	shalt  }
0x47: {  	_ =	shalt  }
0x48: {  	_ =	shalt  }
0x49: {  	_ =	shalt  }
0x4a: {  	_ =	shalt  }
0x4b: {  	_ =	shalt  }
0x4c: {  	_ =	shalt  }
0x4d: {  	_ =	shalt  }
0x4e: {  	_ =	shalt  }
0x4f: {  	_ =	shalt  }
0x50: {  	_ =	shalt  }
0x51: {  	_ =	shalt  }
0x52: {  	_ =	shalt  }
0x53: {  	_ =	shalt  }
0x54: {  	_ =	shalt  }
0x55: {  	_ =	shalt  }
0x56: {  	_ =	shalt  }
0x57: {  	_ =	shalt  }
0x58: {  	_ =	shalt  }
0x59: {  	_ =	shalt  }
0x5a: {  	_ =	shalt  }
0x5b: {  	_ =	shalt  }
0x5c: {  	_ =	shalt  }
0x5d: {  	_ =	shalt  }
0x5e: {  	_ =	shalt  }
0x5f: {  	_ =	shalt  }
0x60: {  	_ =	shalt  }
0x61: {  	_ =	shalt  }
0x62: {  	_ =	shalt  }
0x63: {  	_ =	shalt  }
0x64: {  	_ =	shalt  }
0x65: {  	_ =	shalt  }
0x66: {  	_ =	shalt  }
0x67: {  	_ =	shalt  }
0x68: {  	_ =	shalt  }
0x69: {  	_ =	shalt  }
0x6a: {  	_ =	shalt  }
0x6b: {  	_ =	shalt  }
0x6c: {  	_ =	shalt  }
0x6d: {  	_ =	shalt  }
0x6e: {  	_ =	shalt  }
0x6f: {  	_ =	shalt  }
0x70: {  	_ =	shalt  }
0x71: {  	_ =	shalt  }
0x72: {  	_ =	shalt  }
0x73: {  	_ =	shalt  }
0x74: {  	_ =	shalt  }
0x75: {  	_ =	shalt  }
0x76: {  	_ =	shalt  }
0x77: {  	_ =	shalt  }
0x78: {  	_ =	shalt  }
0x79: {  	_ =	shalt  }
0x7a: {  	_ =	shalt  }
0x7b: {  	_ =	shalt  }
0x7c: {  	_ =	shalt  }
0x7d: {  	_ =	shalt  }
0x7e: {  	_ =	shalt  }
0x7f: {  	_ =	shalt  }
0x80: {  	_ =	shalt  }
0x81: {  	_ =	shalt  }
0x82: {  	_ =	shalt  }
0x83: {  	_ =	shalt  }
0x84: {  	_ =	shalt  }
0x85: {  	_ =	shalt  }
0x86: {  	_ =	shalt  }
0x87: {  	_ =	shalt  }
.Lfunc_end0:
.L_simem_size_0:
called_computation.1_lowered:
.L_overlay_start_0:
0x88: {  	s2 =	sld [smem:$0x3FD9]  }
0x89: {  	s3 =	sld [smem:$0x3FFE];
	_ =	sdelay $0x1  }
0x8a: {  	s1 =	srdreg.scid  }
0x8b: {  	s0 =	sand.u32 $0x1, s1  }
0x8c: {  	s17 =	sshll.u32 s0, $0xA;
	s2 =	sadd.s32 s3, s2  }
0x8d: {  	s2 =	sadd.s32 s2, s17  }
0x8e: {  	[smem:$0x3FC0] =	sst s2  }
0x8f: {  	_ = 	snop  }
0x90: {  	s18 =	sld [smem:$0x3FD0];
	(tm) =	ssettm $0x1  }
0x91: {  	s19 =	sld [smem:$0x3FFB];
	_ =	sdelay $0x3  }
0x92: {  	_ =	strace s19  }
0x93: {  	s2 =	sld [smem:$0x3FFC];
	_ =	sdelay $0x3  }
0x94: {  	_ =	strace s2  }
0x95: {  	s2 =	sld [smem:$0x3FFD];
	_ =	sdelay $0x3  }
0x96: {  	_ =	strace s2  }
0x97: {  	_ =	strace $0x8FFFFFFF  }
0x98: {  	s20 =	sld [smem:$0x3FDB];
	_ =	sdelay $0x1  }
0x99: {  	s4 =	simm.s32 $_scs_section_size  }
0x9a: {  	s5 =	simm.s32 $_size__tile_overlayer_lowered;
	s6 =	simm.s32 $_tile_overlayer_lowered  }
0x9b: {  	s7 =	simm.s32 $0x1BFF;
	s21 =	sshll.u32 s6, $0x1;
	s4 =	sadd.s32 s4, s20  }
0x9c: {  	s22 =	simm.s32 $0x0;
	s5 =	sshll.u32 s5, $0x1;
	s6 =	sadd.s32 s21, s4  }
0x9d: {  	[timem:s22], [sflag:s7] =	dma.local [hbm:s6], s5  }
0x9e: {  	_ =	swait.ge [sflag:s7], s5  }
0x9f: {  	s5 =	ssub.s32 $0x0, s5;
	[sflag:s7] =	ssyncset.done $0x0  }
0xa0: {  	[sflag:s7] =	ssyncadd.s32 s5;
	_ =	sdelay $0x1  }
0xa1: {  	s23 =	simm.s32 $0x1B8B  }
0xa2: {  	_ =	swait.ge [sflag:s23], $0x1  }
0xa3: {  	[sflag:s23] =	ssyncset.done $0x0  }
0xa4: {  	[sflag:s23] =	ssyncadd.s32 $0xFFFFFFFF  }
0xa5: {  	s5 =	sld [smem:$0x0]  }
0xa6: {  	s6 =	sand.u32 $0xFFFFFFFE, s1  }
0xa7: {  	p0 =	sne.s32 s1, s6  }
0xa8: {  	s6 =	sshll.u32 @p0 s6, $0xE  }
0xa9: {  	s6 =	sadd.s32 @p0 $0x11B8D, s6;
	s7 =	sshll.u32 @p0 s5, $0x11  }
0xaa: {  	s6 =	sor.u32 @p0 s7, s6  }
0xab: {  	[sflag:s6] =	ssyncadd.remote.s32 @p0 $0x1;
	_ =	sdelay $0x1  }
0xac: {  	s6 =	simm.s32 @p0 $0x1B8D  }
0xad: {  	_ =	swait.eq @p0 [sflag:s6], $0x1  }
0xae: {  	[sflag:s6] =	ssyncadd.s32 @p0 $0xFFFFFFFF  }
0xaf: {  	s7 =	sshll.u32 @!p0 s1, $0xE  }
0xb0: {  	s7 =	sor.u32 @!p0 $0x4000, s7;
	s6 =	simm.s32 @!p0 $0x1B8D  }
0xb1: {  	s5 =	sshll.u32 @!p0 s5, $0x11;
	s7 =	sadd.s32 @!p0 $0x11B8D, s7;
	_ =	swait.eq @!p0 [sflag:s6], $0x1  }
0xb2: {  	s5 =	sor.u32 @!p0 s5, s7;
	[sflag:s6] =	ssyncadd.s32 @!p0 $0xFFFFFFFF  }
0xb3: {  	s25 =	simm.s32 $0x1B8E;
	s24 =	sld [smem:$0x3FFE];
	[sflag:s5] =	ssyncadd.remote.s32 @!p0 $0x1  }
0xb4: {  	s26 =	simm.s32 $execute0_lowered;
	[smem:$0x3FD2] =	sst s25  }
0xb5: {  	s6 =	sshll.u32 s26, $0x1;
	_ =	strace $0x80000049;
	[dreg:$0x1] =	wrdreg $0xFFFFFFFF  }
0xb6: {  	s28 =	simm.s32 $_size_execute0_lowered;
	s4 =	sadd.s32 s4, s6;
	[dreg:$0x0] =	wrdreg $0x0  }
0xb7: {  	s6 =	sshll.u32 s28, $0x1;
	[dreg:$0x2] =	wrdreg s4  }
0xb8: {  	[dreg:$0x3] =	wrdreg s6  }
0xb9: {  	[dreg:$0x4] =	wrdreg $0xC0  }
0xba: {  	_ =	task [dreg:s22], $0x5FFFF  }
0xbb: {  	[dreg:$0x1] =	wrdreg $0xFFFFFFFF  }
0xbc: {  	[dreg:$0x0] =	wrdreg $0x60  }
0xbd: {  	[dreg:$0x2] =	wrdreg s24  }
0xbe: {  	[dreg:$0x3] =	wrdreg s18  }
0xbf: {  	[dreg:$0x4] =	wrdreg $0x54000  }
0xc0: {  	[dreg:$0x5] =	wrdreg $0xA  }
0xc1: {  	_ =	task.clear_ibuf [dreg:s22], $0x6FFFF;
	_ =	strace $0x90000049  }
0xc2: {  	s29 =	simm.s32 $0xA;
	_ =	strace $0x8000004B  }
0xc3: {  	_ =	swait.ge [sflag:s29], $0x1  }
0xc4: {  	[sflag:s29] =	ssyncadd.s32 $0xFFFFFFFF  }
0xc5: {  	_ =	strace $0x9000004B  }
0xc6: {  	_ =	sfence  }
0xc7: {  	s30 =	sld [smem:$0x0];
	_ =	sdelay $0x2  }
0xc8: {  	s31 =	sshll.u32 s1, $0xD;
	s1 =	sshrl.u32 s1, $0x2  }
0xc9: {  	s4 =	sand.u32 $0x4000, s31;
	s1 =	sadd.s32 s1, s30  }
0xca: {  	s0 =	sor.u32 s4, s0;
	s1 =	sshll.u32 s1, $0x11  }
0xcb: {  	s0 =	sor.u32 s1, s0  }
0xcc: {  	s0 =	sadd.s32 $0x8F2B, s0  }
0xcd: {  	[sflag:s0] =	ssyncadd.remote.s32 $0x1  }
0xce: {  	_ =	sfence.sel $0xFFFF  }
0xcf: {  	[dreg:$0x0] =	wrdreg $0xFFFFFFFF;
	(pc) =	sbr.abs _section_cstart, $3  }
0xd0: {  	[dreg:$0x1] =	wrdreg $0xFFFFFFFF  }
0xd1: {  	_ =	task.clear_ibuf [dreg:s22], $0x2FFFF;
	_ =	strace $0x9FFFFFFF  }
0xd2: {  	(tm) =	ssettm $0x7FFFFFFF  }
0xd3: {  	_ =	shalt  }
tec
execute0_lowered:
.L_overlay_start_1:
0x0: {  	(tag) =	ssettag $0x1  }
0x1: {  	s6 =	rddreg [dreg:$0x0]  }
0x2: {  	s0 =	srdreg.scid;
	s2 =	rddreg [dreg:$0x1]  }
0x3: {  	s3 =	rddreg [dreg:$0x2];
	s4 =	simm.s32 $0x0;
	s13 =	simm.s32 $0x1400  }
0x4: {  	s14 =	simm.s32 $0x80;
	s5 =	sand.u32 $0x1, s0;
	s0 =	stileid.u32  }
0x5: {  	s15 =	simm.s32 $0x0;
	[smem:$0x7FF] =	sst s4;
	s8 =	smul.u32 $0x13C00, s0  }
0x6: {  	s1 =	sshll.u32 s5, $0x4;
	s9 =	smul.u32 $0x13C000, s5;
	s5 =	ssub.s32 $0x2, s5  }
0x7: {  	s28 =	smul.u32 $0x4F000, s0;
	s31 =	sshll.u32 s0, $0x6;
	s1 =	sor.u32 s0, s1  }
0x8: {  	s29 =	sshrl.u32 s5, $0x1;
	s7 =	smul.u32 $0x500, s1;
	s1 =	rddreg [dreg:$0x3]  }
0x9: {  	_ =	strace $0x8000004A;
	s26 =	sshrl.u32 s8, $0x3;
	s8 =	sadd.s32 s8, s9  }
0xa: {  	s11 =	ssub.s32 s5, s29;
	s30 =	sshrl.u32 s28, $0x2;
	s8 =	sshrl.u32 s8, $0x3  }
0xb: {  	s12 =	sadd.s32 s30, s3;
	s10 =	sadd.s32 s7, s6;
	s7 =	sadd.s32 s26, s6  }
0xc: {  	s8 =	sadd.s32 s8, s6;
	s6 =	sor.u32 $0x1C01, s31;
	s5 =	sadd.s32 $0x16200, s7  }
0xd: {  	s7 =	sadd.s32 $0x8CA00, s8;
	s8 =	smax.u32 s11, $0x1;
	s9 =	sadd.s32 $0xC200, s10  }
0xe: {  	s10 =	sadd.s32 $0xC480, s10;
	s11 =	sshrl.u32 s12, $0x3;
	s12 =	simm.s32 $0x1  }
.LBB2_1:
0xf: {  	[spmem:s11], [sflag:s6] =	dma.local [hbm:s5], $0x2780  }
0x10: {  	_ =	swait.ge [sflag:s12], $0x2780  }
0x11: {  	[sflag:s12] =	ssyncset.done $0x0  }
0x12: {  	[sflag:s12] =	ssyncadd.s32 $0xFFFFD880  }
0x13: {  	[tilespmem:s13], [sflag:$0x1] =	stream.linear.gather [hbm4b:s2+s4], $0x4000, $0x38;
	[tilespmem:$0x19000] =	vst v63  }
0x14: {  	_ =	swait.ge [sflag:s12], $0x4000  }
0x15: {  	[sflag:s12] =	ssyncset.done $0x0  }
0x16: {  	[sflag:s12] =	ssyncadd.s32 $0xFFFFC000  }
0x17: {  	[bflag:$0x0] =	sbarrier.arrive $0xFFFF  }
0x18: {  	[tilespmem:s4], [sflag:$0x1] =	stream.linear.gather [hbm4b:s9+s4], $0x1400, $0x38;
	[tilespmem:$0x19000] =	vst v63  }
0x19: {  	_ =	swait.ge [sflag:s12], $0x1400  }
0x1a: {  	[sflag:s12] =	ssyncset.done $0x0  }
0x1b: {  	s16 =	simm.s32 $0x0;
	[sflag:s12] =	ssyncadd.s32 $0xFFFFEC00  }
0x1c: {  	[spmem:s3] =	stream.indirect.scatter.add.f32 [tilespmem:s13], [sflag:$0x1], $0x80, s16, s14, $0xb8;
	[tilespmem:$0x19000] =	vst v63  }
0x1d: {  	_ =	swait.ge [sflag:s12], $0x4000  }
0x1e: {  	s16 =	simm.s32 $0x200;
	[sflag:s12] =	ssyncset.done $0x0  }
.LBB2_2:
0x1f: {  	s17 =	sshra.s32 s16, $0x2;
	[sflag:s12] =	ssyncadd.s32 $0xFFFFC000;
	p0 =	sne.s32 s16, $0x4E00  }
0x20: {  	[spmem:s3] =	stream.indirect.scatter.add.f32 [tilespmem:s13], [sflag:$0x1], $0x80, s17, s14, $0xb8;
	[tilespmem:$0x19000] =	vst v63  }
.Ltmp0:
0x21: {  	_ = 	snop;
	(pc) =	sbr.rel @p0 .LBB2_2-.Ltmp0, $4  }
0x22: {  	_ = 	snop  }
0x23: {  	s16 =	sadd.s32 $0x200, s16  }
0x24: {  	_ =	swait.ge [sflag:s12], $0x4000  }
0x25: {  	[sflag:s12] =	ssyncset.done $0x0  }
0x26: {  	[sflag:s12] =	ssyncadd.s32 $0xFFFFC000;
	s16 =	simm.s32 $0x0  }
0x27: {  	[tilespmem:s16], [sflag:$0x1] =	stream.linear.gather [hbm4b:s10+s16], $0x1400, $0x38;
	[tilespmem:$0x19000] =	vst v63  }
0x28: {  	_ =	swait.ge [sflag:s12], $0x1400  }
0x29: {  	[sflag:s12] =	ssyncset.done $0x0  }
0x2a: {  	s31 =	simm.s32 $0x0;
	[sflag:s12] =	ssyncadd.s32 $0xFFFFEC00  }
0x2b: {  	[spmem:s3] =	stream.indirect.scatter.add.f32 [tilespmem:s13], [sflag:$0x1], $0x80, s31, s14, $0xb8;
	[tilespmem:$0x19000] =	vst v63  }
0x2c: {  	_ =	swait.ge [sflag:s12], $0x4000  }
0x2d: {  	s16 =	simm.s32 $0x200;
	[sflag:s12] =	ssyncset.done $0x0  }
.LBB2_4:
0x2e: {  	s17 =	sshra.s32 s16, $0x2;
	[sflag:s12] =	ssyncadd.s32 $0xFFFFC000;
	p0 =	sne.s32 s16, $0x4E00  }
0x2f: {  	[spmem:s3] =	stream.indirect.scatter.add.f32 [tilespmem:s13], [sflag:$0x1], $0x80, s17, s14, $0xb8;
	[tilespmem:$0x19000] =	vst v63  }
.Ltmp1:
0x30: {  	_ = 	snop;
	(pc) =	sbr.rel @p0 .LBB2_4-.Ltmp1, $4  }
0x31: {  	_ = 	snop  }
0x32: {  	s16 =	sadd.s32 $0x200, s16  }
0x33: {  	_ =	swait.ge [sflag:s12], $0x4000  }
0x34: {  	[sflag:s12] =	ssyncset.done $0x0  }
0x35: {  	s15 =	sadd.s32 $0x1, s15  }
0x36: {  	[sflag:s12] =	ssyncadd.s32 $0xFFFFC000;
	p0 =	sne.s32 s15, s8  }
.Ltmp2:
0x37: {  	[bflag:$0x0] =	sbarrier.arrive $0xFFFF;
	(pc) =	sbr.rel @p0 .LBB2_1-.Ltmp2, $4  }
0x38: {  	[hbm:s7], [sflag:s6] =	dma.local [spmem:s11], $0x2780  }
0x39: {  	_ =	swait.ge [sflag:s12], $0x2780  }
0x3a: {  	[sflag:s12] =	ssyncset.done $0x0  }
0x3b: {  	[sflag:s12] =	ssyncadd.s32 $0xFFFFD880  }
0x3c: {  	_ =	sfence.sel $0x180000  }
0x3d: {  	[bflag:$0x0] =	sbarrier.arrive $0xFFFF  }
0x3e: {  	p0 =	sne.s32 s0, $0x0;
	_ =	strace $0x9000004A  }
0x3f: {  	s0 =	sadd.s32 @!p0 $0x100000, s1;
	[bflag:$0x2] =	sbarrier.arrive $0xFFFF  }
0x40: {  	[sflag:s0] =	ssyncadd.tile.s32 @!p0 $0x1;
	_ =	shalt  }
.Lfunc_end2:
_tile_overlayer_lowered:
.L_overlay_start_2:
0x41: {  	(tag) =	ssettag $0x2  }
0x42: {  	s0 =	rddreg [dreg:$0x0];
	s2 =	stileid.u32  }
0x43: {  	s1 =	rddreg [dreg:$0x1];
	p0 =	sne.s32 s2, $0x0  }
0x44: {  	s3 =	rddreg [dreg:$0x2];
	[bflag:$0x3] =	sbarrier.arrive $0xFFFF;
	s2 =	simm.s32 @!p0 $0x1C01  }
0x45: {  	[timem:s3], [sflag:s2] =	dma.local @!p0 [hbm:s0], s1  }
0x46: {  	s0 =	simm.s32 @!p0 $0x1  }
0x47: {  	_ =	swait.ge @!p0 [sflag:s0], s1  }
0x48: {  	s1 =	ssub.s32 @!p0 $0x0, s1;
	[sflag:s0] =	ssyncset.done @!p0 $0x0  }
0x49: {  	[sflag:s0] =	ssyncadd.s32 @!p0 s1  }
0x4a: {  	[bflag:$0x3] =	sbarrier.arrive $0xFFFF  }
0x4b: {  	_ =	shalt  }

// kernel: kernel.15.cloned.1.call-start
scs
__scs_entry_jumppad:
0x0: {  	(pc) =	sbr.rel $0x88, $3  }
0x1: {  	(tag) =	ssettag $0x0;
	lr =	simm.s32 $0x1  }
0x2: {  	[smem:$0x3F99] =	sst lr;
	_ =	strace $0xD0000000  }
0x3: {  	_ = 	snop  }
0x4: {  	_ = 	snop  }
0x5: {  	_ = 	snop  }
0x6: {  	_ = 	snop  }
0x7: {  	_ = 	snop  }
__scs_overlays_trampoline_lowered:
0x8: {  	[smem:$0x3FA8] =	sst s0  }
0x9: {  	[smem:$0x3FA9] =	sst s1  }
0xa: {  	[smem:$0x3FAA] =	sst s2  }
0xb: {  	[smem:$0x3FAB] =	sst s3  }
0xc: {  	[smem:$0x3FAC] =	sst s4  }
0xd: {  	[smem:$0x3FAD] =	sst s5  }
0xe: {  	[smem:$0x3FAE] =	sst s6  }
0xf: {  	[smem:$0x3FAF] =	sst s7  }
0x10: {  	[smem:$0x3FB0] =	sst s8  }
0x11: {  	[smem:$0x3FB1] =	sst s9;
	s0 =	simm.s32 @!p0 $0x0  }
0x12: {  	s1 =	sld [smem:$0x3F97];
	s0 =	simm.s32 @p0 $0x1  }
0x13: {  	[smem:$0x3FB2] =	sst s0;
	s0 =	simm.s32 @!p1 $0x0  }
0x14: {  	s2 =	sld [smem:$0x3F96];
	s0 =	simm.s32 @p1 $0x1  }
0x15: {  	[smem:$0x3FB3] =	sst s0;
	s0 =	simm.s32 @!p2 $0x0  }
0x16: {  	s3 =	sld [smem:$0x3FDB];
	s0 =	simm.s32 @p2 $0x1  }
0x17: {  	s4 =	simm.s32 $0x1BF5;
	[smem:$0x3FB5] =	sst s0  }
0x18: {  	s0 =	sld [smem:$0x3F98];
	_ =	swait.ge [sflag:s4], $0x0  }
0x19: {  	s7 =	sld [smem:$0x3F99]  }
0x1a: {  	s8 =	sadd.s32 $0xFFFFE003, lr  }
0x1b: {  	s9 =	sadd.s32 $0xFFFFFEF7, lr;
	s5 =	simm.s32 $0xFFFFFFFF;
	p2 =	slt.u32 s8, $0xFFFFF086  }
0x1c: {  	p1 =	slt.u32 s9, $0xF7A;
	s5 =	simm.s32 @!p2 $0x0  }
0x1d: {  	s5 =	simm.s32 @p1 $0x1;
	p0 =	seq.s32 s7, s2  }
0x1e: {  	s7 =	smul.u32 @!p0 $0xF7A, s2;
	p2 =	seq.s32 @!p0 s5, $0x0  }
0x1f: {  	s9 =	smul.u32 $0xF7A, s1;
	s8 =	simm.s32 @!p0 $0x1BF5;
	p2 =	por !p2, p0  }
0x20: {  	[sflag:s8] =	ssyncset.s32 @!p0 $0xFFFFF086;
	s6 =	sadd.s32 @!p0 s3, s7;
	s7 =	simm.s32 @!p0 $0x108  }
0x21: {  	s3 =	sadd.s32 s3, s9;
	s6 =	sadd.s32 @!p0 $0x88, s6;
	s7 =	simm.s32 @p2 $0x1082  }
0x22: {  	[simem:s7], [sflag:s8] =	dma.local @!p0 [hbm:s6], $0xF7A  }
0x23: {  	s9 =	sor.u32 $0xD0000000, s2;
	s6 =	simm.s32 $0x108;
	_ =	swait.ge @!p0 [sflag:s8], $0x0  }
0x24: {  	s3 =	sadd.s32 $0x88, s3;
	s6 =	simm.s32 @!p1 $0x1082;
	[sflag:s4] =	ssyncset.s32 $0xFFFFF086  }
0x25: {  	[simem:s6], [sflag:s4] =	dma.local [hbm:s3], $0xF7A  }
0x26: {  	[smem:$0x3F99] =	sst s1;
	(tag) =	ssettag s2;
	_ =	strace s9  }
0x27: {  	s1 =	sld [smem:$0x3FA9]  }
0x28: {  	s2 =	sld [smem:$0x3FAA]  }
0x29: {  	s4 =	sld [smem:$0x3FAC]  }
0x2a: {  	p0 =	seq.s32 s5, $0x0;
	s5 =	sld [smem:$0x3FAD]  }
0x2b: {  	s6 =	sld [smem:$0x3FAE]  }
0x2c: {  	s7 =	sld [smem:$0x3FAF]  }
0x2d: {  	s3 =	simm.s32 $0x108;
	s8 =	sld [smem:$0x3FB0]  }
0x2e: {  	s3 =	simm.s32 @!p0 $0x1082;
	s9 =	sld [smem:$0x3FB1]  }
0x2f: {  	lr =	sadd.s32 s0, s3;
	s0 =	sld [smem:$0x3FA8]  }
0x30: {  	s3 =	sld [smem:$0x3FAB]  }
0x31: {  	[smem:$0x3FB4] =	sst s10  }
0x32: {  	s10 =	sld [smem:$0x3FB2];
	_ =	sdelay $0x3  }
0x33: {  	p0 =	seq.s32 s10, $0x1;
	s10 =	sld [smem:$0x3FB4];
	_ =	sdelay $0x3  }
0x34: {  	[smem:$0x3FB4] =	sst s10  }
0x35: {  	s10 =	sld [smem:$0x3FB3];
	_ =	sdelay $0x3  }
0x36: {  	p1 =	seq.s32 s10, $0x1;
	s10 =	sld [smem:$0x3FB4];
	_ =	sdelay $0x3  }
0x37: {  	[smem:$0x3FB4] =	sst s10  }
0x38: {  	s10 =	sld [smem:$0x3FB5]  }
0x39: {  	_ = 	snop;
	(pc) =	sbr.ind lr, $3  }
0x3a: {  	_ = 	snop  }
0x3b: {  	_ = 	snop  }
0x3c: {  	p2 =	seq.s32 s10, $0x1;
	s10 =	sld [smem:$0x3FB4]  }
0x3d: {  	_ =	shalt  }
0x3e: {  	_ =	shalt  }
0x3f: {  	_ =	shalt  }
0x40: {  	_ =	shalt  }
0x41: {  	_ =	shalt  }
0x42: {  	_ =	shalt  }
0x43: {  	_ =	shalt  }
0x44: {  	_ =	shalt  }
0x45: {  	_ =	shalt  }
0x46: {  	_ =	shalt  }
0x47: {  	_ =	shalt  }
0x48: {  	_ =	shalt  }
0x49: {  	_ =	shalt  }
0x4a: {  	_ =	shalt  }
0x4b: {  	_ =	shalt  }
0x4c: {  	_ =	shalt  }
0x4d: {  	_ =	shalt  }
0x4e: {  	_ =	shalt  }
0x4f: {  	_ =	shalt  }
0x50: {  	_ =	shalt  }
0x51: {  	_ =	shalt  }
0x52: {  	_ =	shalt  }
0x53: {  	_ =	shalt  }
0x54: {  	_ =	shalt  }
0x55: {  	_ =	shalt  }
0x56: {  	_ =	shalt  }
0x57: {  	_ =	shalt  }
0x58: {  	_ =	shalt  }
0x59: {  	_ =	shalt  }
0x5a: {  	_ =	shalt  }
0x5b: {  	_ =	shalt  }
0x5c: {  	_ =	shalt  }
0x5d: {  	_ =	shalt  }
0x5e: {  	_ =	shalt  }
0x5f: {  	_ =	shalt  }
0x60: {  	_ =	shalt  }
0x61: {  	_ =	shalt  }
0x62: {  	_ =	shalt  }
0x63: {  	_ =	shalt  }
0x64: {  	_ =	shalt  }
0x65: {  	_ =	shalt  }
0x66: {  	_ =	shalt  }
0x67: {  	_ =	shalt  }
0x68: {  	_ =	shalt  }
0x69: {  	_ =	shalt  }
0x6a: {  	_ =	shalt  }
0x6b: {  	_ =	shalt  }
0x6c: {  	_ =	shalt  }
0x6d: {  	_ =	shalt  }
0x6e: {  	_ =	shalt  }
0x6f: {  	_ =	shalt  }
0x70: {  	_ =	shalt  }
0x71: {  	_ =	shalt  }
0x72: {  	_ =	shalt  }
0x73: {  	_ =	shalt  }
0x74: {  	_ =	shalt  }
0x75: {  	_ =	shalt  }
0x76: {  	_ =	shalt  }
0x77: {  	_ =	shalt  }
0x78: {  	_ =	shalt  }
0x79: {  	_ =	shalt  }
0x7a: {  	_ =	shalt  }
0x7b: {  	_ =	shalt  }
0x7c: {  	_ =	shalt  }
0x7d: {  	_ =	shalt  }
0x7e: {  	_ =	shalt  }
0x7f: {  	_ =	shalt  }
0x80: {  	_ =	shalt  }
0x81: {  	_ =	shalt  }
0x82: {  	_ =	shalt  }
0x83: {  	_ =	shalt  }
0x84: {  	_ =	shalt  }
0x85: {  	_ =	shalt  }
0x86: {  	_ =	shalt  }
0x87: {  	_ =	shalt  }
.Lfunc_end0:
.L_simem_size_0:
called_computation.2_lowered:
.L_overlay_start_0:
0x88: {  	s2 =	sld [smem:$0x3FD9]  }
0x89: {  	s3 =	sld [smem:$0x3FFE];
	_ =	sdelay $0x1  }
0x8a: {  	s1 =	srdreg.scid  }
0x8b: {  	s0 =	sand.u32 $0x1, s1  }
0x8c: {  	s17 =	sshll.u32 s0, $0xA;
	s2 =	sadd.s32 s3, s2  }
0x8d: {  	s2 =	sadd.s32 s2, s17  }
0x8e: {  	[smem:$0x3FC0] =	sst s2  }
0x8f: {  	_ = 	snop  }
0x90: {  	s2 =	sld [smem:$0x3FD0];
	(tm) =	ssettm $0x1  }
0x91: {  	s18 =	sld [smem:$0x3FFB];
	_ =	sdelay $0x3  }
0x92: {  	_ =	strace s18  }
0x93: {  	s3 =	sld [smem:$0x3FFC];
	_ =	sdelay $0x3  }
0x94: {  	_ =	strace s3  }
0x95: {  	s3 =	sld [smem:$0x3FFD];
	_ =	sdelay $0x3  }
0x96: {  	_ =	strace s3  }
0x97: {  	_ =	strace $0x8FFFFFFF  }
0x98: {  	s19 =	sld [smem:$0x3FDB];
	_ =	sdelay $0x1  }
0x99: {  	s4 =	simm.s32 $_scs_section_size  }
0x9a: {  	s5 =	simm.s32 $_size__tile_overlayer_lowered;
	s6 =	simm.s32 $_tile_overlayer_lowered  }
0x9b: {  	s22 =	simm.s32 $0x1BFF;
	s21 =	sshll.u32 s6, $0x1;
	s3 =	sadd.s32 s4, s19  }
0x9c: {  	s7 =	simm.s32 $0x0;
	s20 =	sshll.u32 s5, $0x1;
	s5 =	sadd.s32 s21, s3  }
0x9d: {  	[timem:s7], [sflag:s22] =	dma.local [hbm:s5], s20  }
0x9e: {  	_ =	swait.ge [sflag:s22], s20  }
0x9f: {  	s4 =	ssub.s32 $0x0, s20;
	[sflag:s22] =	ssyncset.done $0x0  }
0xa0: {  	[sflag:s22] =	ssyncadd.s32 s4;
	_ =	sdelay $0x1  }
0xa1: {  	s23 =	simm.s32 $0x1B8B  }
0xa2: {  	_ =	swait.ge [sflag:s23], $0x1  }
0xa3: {  	[sflag:s23] =	ssyncset.done $0x0  }
0xa4: {  	s25 =	simm.s32 $0x1B8E;
	s24 =	sld [smem:$0x3FFE];
	[sflag:s23] =	ssyncadd.s32 $0xFFFFFFFF  }
0xa5: {  	s26 =	simm.s32 $execute0_lowered;
	[smem:$0x3FD2] =	sst s25  }
0xa6: {  	s5 =	sshll.u32 s26, $0x1;
	_ =	strace $0x8000004C;
	[dreg:$0x1] =	wrdreg $0xFFFFFFFF  }
0xa7: {  	s28 =	simm.s32 $_size_execute0_lowered;
	s3 =	sadd.s32 s3, s5;
	[dreg:$0x0] =	wrdreg $0x0  }
0xa8: {  	s5 =	sshll.u32 s28, $0x1;
	[dreg:$0x2] =	wrdreg s3  }
0xa9: {  	[dreg:$0x3] =	wrdreg s5  }
0xaa: {  	[dreg:$0x4] =	wrdreg $0xC0  }
0xab: {  	_ =	task [dreg:s7], $0x5FFFF  }
0xac: {  	[dreg:$0x1] =	wrdreg $0xFFFFFFFF  }
0xad: {  	[dreg:$0x0] =	wrdreg $0x60  }
0xae: {  	[dreg:$0x2] =	wrdreg s2  }
0xaf: {  	[dreg:$0x3] =	wrdreg s24  }
0xb0: {  	[dreg:$0x4] =	wrdreg $0xA8000  }
0xb1: {  	[dreg:$0x5] =	wrdreg $0x9  }
0xb2: {  	_ =	task.clear_ibuf [dreg:s7], $0x6FFFF;
	_ =	strace $0x9000004C  }
0xb3: {  	s29 =	simm.s32 $0x9;
	_ =	strace $0x8000004E  }
0xb4: {  	_ =	swait.ge [sflag:s29], $0x1  }
0xb5: {  	[sflag:s29] =	ssyncadd.s32 $0xFFFFFFFF  }
0xb6: {  	_ =	strace $0x9000004E  }
0xb7: {  	_ =	sfence  }
0xb8: {  	s30 =	sld [smem:$0x0];
	_ =	sdelay $0x2  }
0xb9: {  	s31 =	sshll.u32 s1, $0xD;
	s1 =	sshrl.u32 s1, $0x2  }
0xba: {  	s3 =	sand.u32 $0x4000, s31;
	s1 =	sadd.s32 s1, s30  }
0xbb: {  	s0 =	sor.u32 s3, s0;
	s1 =	sshll.u32 s1, $0x11  }
0xbc: {  	s0 =	sor.u32 s1, s0  }
0xbd: {  	s0 =	sadd.s32 $0x8F2B, s0  }
0xbe: {  	[sflag:s0] =	ssyncadd.remote.s32 $0x1  }
0xbf: {  	_ =	sfence.sel $0xFFFF  }
0xc0: {  	[dreg:$0x0] =	wrdreg $0xFFFFFFFF;
	(pc) =	sbr.abs _section_cstart, $3  }
0xc1: {  	[dreg:$0x1] =	wrdreg $0xFFFFFFFF  }
0xc2: {  	_ =	task.clear_ibuf [dreg:s7], $0x2FFFF;
	_ =	strace $0x9FFFFFFF  }
0xc3: {  	(tm) =	ssettm $0x7FFFFFFF  }
tec
execute0_lowered:
.L_overlay_start_1:
0x0: {  	(tag) =	ssettag $0x1  }
0x1: {  	s2 =	rddreg [dreg:$0x0]  }
0x2: {  	s7 =	rddreg [dreg:$0x1]  }
0x3: {  	s3 =	rddreg [dreg:$0x2]  }
0x4: {  	s0 =	rddreg [dreg:$0x3];
	s1 =	stileid.u32  }
0x5: {  	s5 =	srdreg.scid;
	s4 =	simm.s32 $0x0;
	s16 =	simm.s32 $0x2800  }
0x6: {  	s17 =	simm.s32 $0x4;
	s8 =	smul.u32 $0x13C00, s1;
	s15 =	sand.u32 $0x1, s5  }
0x7: {  	[smem:$0x7FF] =	sst s4;
	s5 =	sadd.s32 $0x2200, s7;
	s11 =	smul.u32 $0x4F000, s1  }
0x8: {  	s6 =	sadd.s32 $0xC200, s7;
	s31 =	sshll.u32 s1, $0x6;
	s9 =	smul.u32 $0x13C000, s15  }
0x9: {  	_ =	strace $0x8000004D;
	s28 =	ssub.s32 $0x2, s15;
	v0 =	vmov s15;
	s15 =	simm.s32 $0x80  }
0xa: {  	s10 =	sshrl.u32 s8, $0x3;
	s29 =	sshrl.u32 s28, $0x1;
	s30 =	sshrl.u32 s11, $0x2  }
.Ltmp0:
0xb: {  	s8 =	sadd.s32 s8, s9;
	s10 =	sadd.s32 s10, s7;
	(pc) =	sbr.rel .LBB2_1-.Ltmp0, $4  }
0xc: {  	s13 =	ssub.s32 s28, s29;
	s14 =	sadd.s32 s30, s3;
	s9 =	smul.u32 $0xA0, s1  }
0xd: {  	s8 =	sshrl.u32 s8, $0x3;
	s11 =	smax.u32 s13, $0x1;
	s13 =	simm.s32 $0x5  }
0xe: {  	s12 =	sadd.s32 s8, s7;
	s7 =	sadd.s32 $0x16200, s10;
	s8 =	sor.u32 $0x1C05, s31  }
0xf: {  	s10 =	sadd.s32 $0x3DA00, s12;
	s12 =	sshrl.u32 s14, $0x3;
	s14 =	simm.s32 $0x1400  }
.LBB2_9:
0x10: {  	s4 =	sadd.s32 $0x1, s4  }
0x11: {  	p0 =	sne.s32 s4, s11  }
.Ltmp1:
0x12: {  	[bflag:$0x0] =	sbarrier.arrive $0xFFFF;
	(pc) =	sbr.rel @!p0 .LBB2_10-.Ltmp1, $4  }
0x13: {  	[hbm:s10], [sflag:s8] =	dma.local [spmem:s12], $0x2780  }
0x14: {  	_ =	swait.ge [sflag:s13], $0x2780  }
0x15: {  	[sflag:s13] =	ssyncset.done $0x0  }
0x16: {  	[sflag:s13] =	ssyncadd.s32 $0xFFFFD880  }
.LBB2_1:
0x17: {  	[spmem:s12], [sflag:s8] =	dma.local [hbm:s7], $0x2780  }
.Ltmp2:
0x18: {  	_ =	swait.ge [sflag:s13], $0x2780;
	(pc) =	sbr.rel .LBB2_2-.Ltmp2, $4  }
0x19: {  	[sflag:s13] =	ssyncset.done $0x0  }
0x1a: {  	[sflag:s13] =	ssyncadd.s32 $0xFFFFD880  }
0x1b: {  	[bflag:$0x0] =	sbarrier.arrive $0xFFFF  }
0x1c: {  	s18 =	simm.s32 $0x0  }
.LBB2_8:
0x1d: {  	s18 =	sadd.s32 $0x1, s18  }
0x1e: {  	p0 =	sne.s32 s18, $0x4  }
.Ltmp3:
0x1f: {  	_ = 	snop;
	(pc) =	sbr.rel @!p0 .LBB2_9-.Ltmp3, $4  }
0x20: {  	_ = 	snop  }
0x21: {  	_ =	swait.ge [sflag:s17], $0x4000  }
0x22: {  	[sflag:s17] =	ssyncset.done $0x0  }
0x23: {  	[sflag:s17] =	ssyncadd.s32 $0xFFFFC000  }
.LBB2_2:
0x24: {  	s19 =	smul.u32 $0x28, s18;
	_ =	sdelay $0x1  }
0x25: {  	s19 =	sadd.s32 s9, s19  }
0x26: {  	s19 =	sshll.u32 s19, $0x4  }
0x27: {  	s21 =	simm.s32 $0x0;
	s20 =	sadd.s32 s5, s19  }
0x28: {  	[tilespmem:s21], [sflag:$0x5] =	stream.linear.gather [hbm4b:s20+s21], $0x1400, $0x38;
	[tilespmem:$0x1E400] =	vst v63  }
0x29: {  	_ =	swait.ge [sflag:s13], $0x1400  }
0x2a: {  	[sflag:s13] =	ssyncset.done $0x0  }
0x2b: {  	s19 =	sadd.s32 s6, s19;
	[sflag:s13] =	ssyncadd.s32 $0xFFFFEC00  }
0x2c: {  	[tilespmem:s14], [sflag:$0x5] =	stream.linear.gather [hbm4b:s19+s21], $0x1400, $0x38;
	[tilespmem:$0x1E400] =	vst v63  }
0x2d: {  	_ =	swait.ge [sflag:s13], $0x1400  }
0x2e: {  	s31 =	simm.s32 $0x0;
	[sflag:s13] =	ssyncset.done $0x0  }
0x2f: {  	s19 =	sand.u32 $0x1FF0, s31;
	[sflag:s13] =	ssyncadd.s32 $0xFFFFEC00  }
0x30: {  	v1 =	vld [tilespmem:s19+$0x0];
	_ =	sdelay $0x4  }
0x31: {  	v1 =	vshll.u32 v1, $0x1  }
0x32: {  	s20 =	simm.s32 $0x80;
	s21 =	simm.s32 $0x10;
	v1 =	vor.u32 v0, v1  }
.LBB2_3:
0x33: {  	p0 =	sne.s32 s20, $0x4FC0;
	[tilespmem:s19+$0x0] =	vst v1;
	s19 =	sand.u32 $0x1FF0, s21  }
0x34: {  	v1 =	vld [tilespmem:s19+$0x0];
	_ =	sdelay $0x1  }
.Ltmp4:
0x35: {  	(pc) =	sbr.rel @p0 .LBB2_3-.Ltmp4, $3  }
0x36: {  	_ =	sdelay $0x1  }
0x37: {  	v1 =	vshll.u32 v1, $0x1  }
0x38: {  	s21 =	sshrl.u32 s20, $0x2;
	s20 =	sadd.s32 $0x40, s20;
	v1 =	vor.u32 v0, v1  }
0x39: {  	s20 =	sand.u32 $0x1FF0, s21;
	[tilespmem:s19+$0x0] =	vst v1  }
0x3a: {  	v1 =	vld [tilespmem:s20+$0x0];
	_ =	sdelay $0x3  }
.Ltmp5:
0x3b: {  	_ = 	snop;
	(pc) =	sbr.rel .LBB2_5-.Ltmp5, $4  }
0x3c: {  	v1 =	vshll.u32 v1, $0x1  }
0x3d: {  	v1 =	vor.u32 v0, v1  }
0x3e: {  	[tilespmem:s20+$0x0] =	vst v1;
	s20 =	simm.s32 $0x0  }
0x3f: {  	[tilespmem:s16], [sflag:$0x1] =	stream.indirect.gather [hbm4b:s2+s15], $0x80, s20, s15, $0xb8;
	[tilespmem:$0x1E400] =	vst v63  }
.LBB2_7:
0x40: {  	s22 =	sadd.s32 $0x1, s19;
	s23 =	sshll.u32 s19, $0xE;
	p0 =	slt.u32 s21, $0x28  }
.Ltmp6:
0x41: {  	s20 =	sshll.u32 s20, $0x7;
	_ =	swait.ge [sflag:s22], $0x4000;
	(pc) =	sbr.rel @!p0 .LBB2_8-.Ltmp6, $4  }
0x42: {  	s31 =	sadd.s32 $0x3, s19;
	s20 =	sand.u32 $0x3FFFFF80, s20;
	[sflag:s22] =	ssyncset.done $0x0  }
0x43: {  	s23 =	sor.u32 $0x2800, s23;
	s20 =	sadd.s32 $0x1400, s20;
	[sflag:s22] =	ssyncadd.s32 $0xFFFFC000  }
0x44: {  	[spmem:s3] =	stream.indirect.scatter.add.f32 [tilespmem:s23], [sflag:s31], $0x80, s20, s15, $0xb8;
	[tilespmem:$0x1E400] =	vst v63  }
0x45: {  	s20 =	smov.u32 s21  }
.LBB2_5:
0x46: {  	p0 =	seq.s32 s20, $0x0  }
0x47: {  	p1 =	seq.s32 @!p0 s20, $0x27  }
0x48: {  	s19 =	sand.u32 $0x1, s20;
	p1 =	por p0, !p1  }
.Ltmp7:
0x49: {  	s22 =	sxor.u32 $0x1, s19;
	(pc) =	sbr.rel @!p1 .LBB2_7-.Ltmp7, $4  }
0x4a: {  	s21 =	sadd.s32 @!p0 $0x3, s22  }
0x4b: {  	_ =	swait.ge @!p0 [sflag:s21], $0x4000  }
0x4c: {  	[sflag:s21] =	ssyncset.done @!p0 $0x0  }
0x4d: {  	[sflag:s21] =	ssyncadd.s32 @!p0 $0xFFFFC000;
	s21 =	simm.s32 @!p0 $0x28  }
.Ltmp8:
0x4e: {  	s21 =	sadd.s32 @!p0 $0x1, s20;
	(pc) =	sbr.rel .LBB2_7-.Ltmp8, $4  }
0x4f: {  	s21 =	simm.s32 @p0 $0x1  }
0x50: {  	s23 =	sshll.u32 s22, $0xE;
	s24 =	sshll.u32 s21, $0x7  }
0x51: {  	s31 =	sadd.s32 $0x1, s22;
	s23 =	sor.u32 $0x2800, s23;
	s24 =	sand.u32 $0x3FFFFF80, s24  }
0x52: {  	[tilespmem:s23], [sflag:s31] =	stream.indirect.gather [hbm4b:s2+s15], $0x80, s24, s15, $0xb8;
	[tilespmem:$0x1E400] =	vst v63  }
.LBB2_10:
0x53: {  	_ =	sfence.sel $0x180000  }
0x54: {  	[bflag:$0x0] =	sbarrier.arrive $0xFFFF  }
0x55: {  	p0 =	sne.s32 s1, $0x0;
	_ =	strace $0x9000004D  }
0x56: {  	s0 =	sadd.s32 @!p0 $0x100000, s0;
	[bflag:$0x2] =	sbarrier.arrive $0xFFFF  }
0x57: {  	[sflag:s0] =	ssyncadd.tile.s32 @!p0 $0x1;
	_ =	shalt  }
.Lfunc_end2:
_tile_overlayer_lowered:
.L_overlay_start_2:
0x58: {  	(tag) =	ssettag $0x2  }
0x59: {  	s0 =	rddreg [dreg:$0x0];
	s2 =	stileid.u32  }
0x5a: {  	s1 =	rddreg [dreg:$0x1];
	p0 =	sne.s32 s2, $0x0  }
0x5b: {  	s3 =	rddreg [dreg:$0x2];
	[bflag:$0x3] =	sbarrier.arrive $0xFFFF;
	s2 =	simm.s32 @!p0 $0x1C05  }
0x5c: {  	[timem:s3], [sflag:s2] =	dma.local @!p0 [hbm:s0], s1  }
0x5d: {  	s0 =	simm.s32 @!p0 $0x5  }
0x5e: {  	_ =	swait.ge @!p0 [sflag:s0], s1  }
0x5f: {  	s1 =	ssub.s32 @!p0 $0x0, s1;
	[sflag:s0] =	ssyncset.done @!p0 $0x0  }
0x60: {  	[sflag:s0] =	ssyncadd.s32 @!p0 s1  }
0x61: {  	[bflag:$0x3] =	sbarrier.arrive $0xFFFF  }
0x62: {  	_ =	shalt  }

// kernel: kernel.9.cloned.1.call-start
scs
__scs_entry_jumppad:
0x0: {  	(pc) =	sbr.rel $0x88, $3  }
0x1: {  	(tag) =	ssettag $0x0;
	lr =	simm.s32 $0x1  }
0x2: {  	[smem:$0x3F99] =	sst lr;
	_ =	strace $0xD0000000  }
0x3: {  	_ = 	snop  }
0x4: {  	_ = 	snop  }
0x5: {  	_ = 	snop  }
0x6: {  	_ = 	snop  }
0x7: {  	_ = 	snop  }
__scs_overlays_trampoline_lowered:
0x8: {  	[smem:$0x3FA8] =	sst s0  }
0x9: {  	[smem:$0x3FA9] =	sst s1  }
0xa: {  	[smem:$0x3FAA] =	sst s2  }
0xb: {  	[smem:$0x3FAB] =	sst s3  }
0xc: {  	[smem:$0x3FAC] =	sst s4  }
0xd: {  	[smem:$0x3FAD] =	sst s5  }
0xe: {  	[smem:$0x3FAE] =	sst s6  }
0xf: {  	[smem:$0x3FAF] =	sst s7  }
0x10: {  	[smem:$0x3FB0] =	sst s8  }
0x11: {  	[smem:$0x3FB1] =	sst s9;
	s0 =	simm.s32 @!p0 $0x0  }
0x12: {  	s1 =	sld [smem:$0x3F97];
	s0 =	simm.s32 @p0 $0x1  }
0x13: {  	[smem:$0x3FB2] =	sst s0;
	s0 =	simm.s32 @!p1 $0x0  }
0x14: {  	s2 =	sld [smem:$0x3F96];
	s0 =	simm.s32 @p1 $0x1  }
0x15: {  	[smem:$0x3FB3] =	sst s0;
	s0 =	simm.s32 @!p2 $0x0  }
0x16: {  	s3 =	sld [smem:$0x3FDB];
	s0 =	simm.s32 @p2 $0x1  }
0x17: {  	s4 =	simm.s32 $0x1BF5;
	[smem:$0x3FB5] =	sst s0  }
0x18: {  	s0 =	sld [smem:$0x3F98];
	_ =	swait.ge [sflag:s4], $0x0  }
0x19: {  	s7 =	sld [smem:$0x3F99]  }
0x1a: {  	s8 =	sadd.s32 $0xFFFFE003, lr  }
0x1b: {  	s9 =	sadd.s32 $0xFFFFFEF7, lr;
	s5 =	simm.s32 $0xFFFFFFFF;
	p2 =	slt.u32 s8, $0xFFFFF086  }
0x1c: {  	p1 =	slt.u32 s9, $0xF7A;
	s5 =	simm.s32 @!p2 $0x0  }
0x1d: {  	s5 =	simm.s32 @p1 $0x1;
	p0 =	seq.s32 s7, s2  }
0x1e: {  	s7 =	smul.u32 @!p0 $0xF7A, s2;
	p2 =	seq.s32 @!p0 s5, $0x0  }
0x1f: {  	s9 =	smul.u32 $0xF7A, s1;
	s8 =	simm.s32 @!p0 $0x1BF5;
	p2 =	por !p2, p0  }
0x20: {  	[sflag:s8] =	ssyncset.s32 @!p0 $0xFFFFF086;
	s6 =	sadd.s32 @!p0 s3, s7;
	s7 =	simm.s32 @!p0 $0x108  }
0x21: {  	s3 =	sadd.s32 s3, s9;
	s6 =	sadd.s32 @!p0 $0x88, s6;
	s7 =	simm.s32 @p2 $0x1082  }
0x22: {  	[simem:s7], [sflag:s8] =	dma.local @!p0 [hbm:s6], $0xF7A  }
0x23: {  	s9 =	sor.u32 $0xD0000000, s2;
	s6 =	simm.s32 $0x108;
	_ =	swait.ge @!p0 [sflag:s8], $0x0  }
0x24: {  	s3 =	sadd.s32 $0x88, s3;
	s6 =	simm.s32 @!p1 $0x1082;
	[sflag:s4] =	ssyncset.s32 $0xFFFFF086  }
0x25: {  	[simem:s6], [sflag:s4] =	dma.local [hbm:s3], $0xF7A  }
0x26: {  	[smem:$0x3F99] =	sst s1;
	(tag) =	ssettag s2;
	_ =	strace s9  }
0x27: {  	s1 =	sld [smem:$0x3FA9]  }
0x28: {  	s2 =	sld [smem:$0x3FAA]  }
0x29: {  	s4 =	sld [smem:$0x3FAC]  }
0x2a: {  	p0 =	seq.s32 s5, $0x0;
	s5 =	sld [smem:$0x3FAD]  }
0x2b: {  	s6 =	sld [smem:$0x3FAE]  }
0x2c: {  	s7 =	sld [smem:$0x3FAF]  }
0x2d: {  	s3 =	simm.s32 $0x108;
	s8 =	sld [smem:$0x3FB0]  }
0x2e: {  	s3 =	simm.s32 @!p0 $0x1082;
	s9 =	sld [smem:$0x3FB1]  }
0x2f: {  	lr =	sadd.s32 s0, s3;
	s0 =	sld [smem:$0x3FA8]  }
0x30: {  	s3 =	sld [smem:$0x3FAB]  }
0x31: {  	[smem:$0x3FB4] =	sst s10  }
0x32: {  	s10 =	sld [smem:$0x3FB2];
	_ =	sdelay $0x3  }
0x33: {  	p0 =	seq.s32 s10, $0x1;
	s10 =	sld [smem:$0x3FB4];
	_ =	sdelay $0x3  }
0x34: {  	[smem:$0x3FB4] =	sst s10  }
0x35: {  	s10 =	sld [smem:$0x3FB3];
	_ =	sdelay $0x3  }
0x36: {  	p1 =	seq.s32 s10, $0x1;
	s10 =	sld [smem:$0x3FB4];
	_ =	sdelay $0x3  }
0x37: {  	[smem:$0x3FB4] =	sst s10  }
0x38: {  	s10 =	sld [smem:$0x3FB5]  }
0x39: {  	_ = 	snop;
	(pc) =	sbr.ind lr, $3  }
0x3a: {  	_ = 	snop  }
0x3b: {  	_ = 	snop  }
0x3c: {  	p2 =	seq.s32 s10, $0x1;
	s10 =	sld [smem:$0x3FB4]  }
0x3d: {  	_ =	shalt  }
0x3e: {  	_ =	shalt  }
0x3f: {  	_ =	shalt  }
0x40: {  	_ =	shalt  }
0x41: {  	_ =	shalt  }
0x42: {  	_ =	shalt  }
0x43: {  	_ =	shalt  }
0x44: {  	_ =	shalt  }
0x45: {  	_ =	shalt  }
0x46: {  	_ =	shalt  }
0x47: {  	_ =	shalt  }
0x48: {  	_ =	shalt  }
0x49: {  	_ =	shalt  }
0x4a: {  	_ =	shalt  }
0x4b: {  	_ =	shalt  }
0x4c: {  	_ =	shalt  }
0x4d: {  	_ =	shalt  }
0x4e: {  	_ =	shalt  }
0x4f: {  	_ =	shalt  }
0x50: {  	_ =	shalt  }
0x51: {  	_ =	shalt  }
0x52: {  	_ =	shalt  }
0x53: {  	_ =	shalt  }
0x54: {  	_ =	shalt  }
0x55: {  	_ =	shalt  }
0x56: {  	_ =	shalt  }
0x57: {  	_ =	shalt  }
0x58: {  	_ =	shalt  }
0x59: {  	_ =	shalt  }
0x5a: {  	_ =	shalt  }
0x5b: {  	_ =	shalt  }
0x5c: {  	_ =	shalt  }
0x5d: {  	_ =	shalt  }
0x5e: {  	_ =	shalt  }
0x5f: {  	_ =	shalt  }
0x60: {  	_ =	shalt  }
0x61: {  	_ =	shalt  }
0x62: {  	_ =	shalt  }
0x63: {  	_ =	shalt  }
0x64: {  	_ =	shalt  }
0x65: {  	_ =	shalt  }
0x66: {  	_ =	shalt  }
0x67: {  	_ =	shalt  }
0x68: {  	_ =	shalt  }
0x69: {  	_ =	shalt  }
0x6a: {  	_ =	shalt  }
0x6b: {  	_ =	shalt  }
0x6c: {  	_ =	shalt  }
0x6d: {  	_ =	shalt  }
0x6e: {  	_ =	shalt  }
0x6f: {  	_ =	shalt  }
0x70: {  	_ =	shalt  }
0x71: {  	_ =	shalt  }
0x72: {  	_ =	shalt  }
0x73: {  	_ =	shalt  }
0x74: {  	_ =	shalt  }
0x75: {  	_ =	shalt  }
0x76: {  	_ =	shalt  }
0x77: {  	_ =	shalt  }
0x78: {  	_ =	shalt  }
0x79: {  	_ =	shalt  }
0x7a: {  	_ =	shalt  }
0x7b: {  	_ =	shalt  }
0x7c: {  	_ =	shalt  }
0x7d: {  	_ =	shalt  }
0x7e: {  	_ =	shalt  }
0x7f: {  	_ =	shalt  }
0x80: {  	_ =	shalt  }
0x81: {  	_ =	shalt  }
0x82: {  	_ =	shalt  }
0x83: {  	_ =	shalt  }
0x84: {  	_ =	shalt  }
0x85: {  	_ =	shalt  }
0x86: {  	_ =	shalt  }
0x87: {  	_ =	shalt  }
.Lfunc_end0:
.L_simem_size_0:
called_computation_lowered:
.L_overlay_start_0:
0x88: {  	s2 =	sld [smem:$0x3FD9]  }
0x89: {  	s3 =	sld [smem:$0x3FFE];
	_ =	sdelay $0x1  }
0x8a: {  	s1 =	srdreg.scid  }
0x8b: {  	s0 =	sand.u32 $0x1, s1  }
0x8c: {  	s17 =	sshll.u32 s0, $0xA;
	s2 =	sadd.s32 s3, s2  }
0x8d: {  	s2 =	sadd.s32 s2, s17  }
0x8e: {  	[smem:$0x3FC0] =	sst s2  }
0x8f: {  	_ = 	snop  }
0x90: {  	s2 =	sld [smem:$0x3FC9];
	(tm) =	ssettm $0x1  }
0x91: {  	s18 =	sld [smem:$0x3FFB];
	_ =	sdelay $0x3  }
0x92: {  	_ =	strace s18  }
0x93: {  	s3 =	sld [smem:$0x3FFC];
	_ =	sdelay $0x3  }
0x94: {  	_ =	strace s3  }
0x95: {  	s3 =	sld [smem:$0x3FFD];
	_ =	sdelay $0x3  }
0x96: {  	_ =	strace s3  }
0x97: {  	_ =	strace $0x8FFFFFFF  }
0x98: {  	s19 =	sld [smem:$0x3FDB];
	_ =	sdelay $0x1  }
0x99: {  	s4 =	simm.s32 $_scs_section_size  }
0x9a: {  	s5 =	simm.s32 $_size__tile_overlayer_lowered;
	s6 =	simm.s32 $_tile_overlayer_lowered  }
0x9b: {  	s22 =	simm.s32 $0x1BFF;
	s21 =	sshll.u32 s6, $0x1;
	s3 =	sadd.s32 s4, s19  }
0x9c: {  	s7 =	simm.s32 $0x0;
	s20 =	sshll.u32 s5, $0x1;
	s5 =	sadd.s32 s21, s3  }
0x9d: {  	[timem:s7], [sflag:s22] =	dma.local [hbm:s5], s20  }
0x9e: {  	_ =	swait.ge [sflag:s22], s20  }
0x9f: {  	s4 =	ssub.s32 $0x0, s20;
	[sflag:s22] =	ssyncset.done $0x0  }
0xa0: {  	[sflag:s22] =	ssyncadd.s32 s4;
	_ =	sdelay $0x1  }
0xa1: {  	s23 =	simm.s32 $0x1B8B  }
0xa2: {  	_ =	swait.ge [sflag:s23], $0x1  }
0xa3: {  	[sflag:s23] =	ssyncset.done $0x0  }
0xa4: {  	s25 =	simm.s32 $0x1B8E;
	s24 =	sld [smem:$0x3FFE];
	[sflag:s23] =	ssyncadd.s32 $0xFFFFFFFF  }
0xa5: {  	s26 =	simm.s32 $execute0_lowered;
	[smem:$0x3FD2] =	sst s25  }
0xa6: {  	s5 =	sshll.u32 s26, $0x1;
	_ =	strace $0x80000046;
	[dreg:$0x1] =	wrdreg $0xFFFFFFFF  }
0xa7: {  	s28 =	simm.s32 $_size_execute0_lowered;
	s3 =	sadd.s32 s3, s5;
	[dreg:$0x0] =	wrdreg $0x0  }
0xa8: {  	s5 =	sshll.u32 s28, $0x1;
	[dreg:$0x2] =	wrdreg s3  }
0xa9: {  	[dreg:$0x3] =	wrdreg s5  }
0xaa: {  	[dreg:$0x4] =	wrdreg $0xC0  }
0xab: {  	_ =	task [dreg:s7], $0x5FFFF  }
0xac: {  	[dreg:$0x1] =	wrdreg $0xFFFFFFFF  }
0xad: {  	[dreg:$0x0] =	wrdreg $0x60  }
0xae: {  	[dreg:$0x2] =	wrdreg s2  }
0xaf: {  	[dreg:$0x3] =	wrdreg s24  }
0xb0: {  	[dreg:$0x4] =	wrdreg $0xA8000  }
0xb1: {  	[dreg:$0x5] =	wrdreg $0x9  }
0xb2: {  	_ =	task.clear_ibuf [dreg:s7], $0x6FFFF;
	_ =	strace $0x90000046  }
0xb3: {  	s29 =	simm.s32 $0x9;
	_ =	strace $0x80000048  }
0xb4: {  	_ =	swait.ge [sflag:s29], $0x1  }
0xb5: {  	[sflag:s29] =	ssyncadd.s32 $0xFFFFFFFF  }
0xb6: {  	_ =	strace $0x90000048  }
0xb7: {  	_ =	sfence  }
0xb8: {  	s30 =	sld [smem:$0x0];
	_ =	sdelay $0x2  }
0xb9: {  	s31 =	sshll.u32 s1, $0xD;
	s1 =	sshrl.u32 s1, $0x2  }
0xba: {  	s3 =	sand.u32 $0x4000, s31;
	s1 =	sadd.s32 s1, s30  }
0xbb: {  	s0 =	sor.u32 s3, s0;
	s1 =	sshll.u32 s1, $0x11  }
0xbc: {  	s0 =	sor.u32 s1, s0  }
0xbd: {  	s0 =	sadd.s32 $0x8F2B, s0  }
0xbe: {  	[sflag:s0] =	ssyncadd.remote.s32 $0x1  }
0xbf: {  	_ =	sfence.sel $0xFFFF  }
0xc0: {  	[dreg:$0x0] =	wrdreg $0xFFFFFFFF;
	(pc) =	sbr.abs _section_cstart, $3  }
0xc1: {  	[dreg:$0x1] =	wrdreg $0xFFFFFFFF  }
0xc2: {  	_ =	task.clear_ibuf [dreg:s7], $0x2FFFF;
	_ =	strace $0x9FFFFFFF  }
0xc3: {  	(tm) =	ssettm $0x7FFFFFFF  }
tec
execute0_lowered:
.L_overlay_start_1:
0x0: {  	(tag) =	ssettag $0x1  }
0x1: {  	s2 =	rddreg [dreg:$0x0]  }
0x2: {  	s5 =	rddreg [dreg:$0x1]  }
0x3: {  	s3 =	rddreg [dreg:$0x2]  }
0x4: {  	s0 =	rddreg [dreg:$0x3]  }
0x5: {  	s1 =	stileid.u32;
	s6 =	srdreg.scid;
	s4 =	simm.s32 $0x0  }
0x6: {  	s15 =	simm.s32 $0x1400;
	s16 =	simm.s32 $0x80;
	s17 =	simm.s32 $0x2800  }
0x7: {  	s18 =	simm.s32 $0x4;
	s19 =	simm.s32 $0x0;
	s7 =	smul.u32 $0x13C00, s1  }
0x8: {  	s6 =	sand.u32 $0x1, s6;
	[smem:$0x7FF] =	sst s4;
	s11 =	sadd.s32 $0x2200, s5  }
0x9: {  	s12 =	sadd.s32 $0xC200, s5;
	s9 =	smul.u32 $0x4F000, s1;
	s31 =	sshll.u32 s1, $0x6  }
0xa: {  	s8 =	smul.u32 $0x13C000, s6;
	_ =	strace $0x80000047;
	s30 =	ssub.s32 $0x2, s6  }
0xb: {  	s6 =	sshll.u32 s6, $0x4;
	s10 =	sshrl.u32 s30, $0x1;
	s9 =	sshrl.u32 s9, $0x2  }
0xc: {  	s6 =	sor.u32 s1, s6;
	s8 =	sadd.s32 s7, s8;
	s7 =	sshrl.u32 s7, $0x3  }
0xd: {  	s10 =	ssub.s32 s30, s10;
	s13 =	sadd.s32 s9, s3;
	s14 =	smul.u32 $0x500, s6  }
.Ltmp0:
0xe: {  	s6 =	sor.u32 $0x1C05, s31;
	s8 =	sshrl.u32 s8, $0x3;
	(pc) =	sbr.rel .LBB2_1-.Ltmp0, $4  }
0xf: {  	s7 =	sadd.s32 s7, s5;
	s13 =	sshrl.u32 s13, $0x3;
	s8 =	sadd.s32 s8, s5  }
0x10: {  	s5 =	sadd.s32 $0x16200, s7;
	s9 =	sadd.s32 s11, s14;
	s7 =	sadd.s32 $0x3DA00, s8  }
0x11: {  	s8 =	smax.u32 s10, $0x1;
	s10 =	sadd.s32 s12, s14;
	s14 =	sadd.s32 $0x280, s14  }
0x12: {  	s11 =	sadd.s32 s11, s14;
	s12 =	sadd.s32 s12, s14;
	s14 =	simm.s32 $0x5  }
.LBB2_9:
0x13: {  	_ =	swait.ge [sflag:s18], $0x4000  }
0x14: {  	s19 =	sadd.s32 $0x1, s19;
	[sflag:s18] =	ssyncset.done $0x0  }
0x15: {  	p0 =	sne.s32 s19, s8;
	[sflag:s18] =	ssyncadd.s32 $0xFFFFC000  }
.Ltmp1:
0x16: {  	[bflag:$0x0] =	sbarrier.arrive $0xFFFF;
	(pc) =	sbr.rel @!p0 .LBB2_10-.Ltmp1, $4  }
0x17: {  	[hbm:s7], [sflag:s6] =	dma.local [spmem:s13], $0x2780  }
0x18: {  	_ =	swait.ge [sflag:s14], $0x2780  }
0x19: {  	[sflag:s14] =	ssyncset.done $0x0  }
0x1a: {  	[sflag:s14] =	ssyncadd.s32 $0xFFFFD880  }
.LBB2_1:
0x1b: {  	[spmem:s13], [sflag:s6] =	dma.local [hbm:s5], $0x2780  }
0x1c: {  	_ =	swait.ge [sflag:s14], $0x2780  }
0x1d: {  	[sflag:s14] =	ssyncset.done $0x0  }
0x1e: {  	[sflag:s14] =	ssyncadd.s32 $0xFFFFD880  }
0x1f: {  	[bflag:$0x0] =	sbarrier.arrive $0xFFFF  }
0x20: {  	[tilespmem:s4], [sflag:$0x5] =	stream.linear.gather [hbm4b:s9+s4], $0x1400, $0x38;
	[tilespmem:$0x1E400] =	vst v63  }
0x21: {  	_ =	swait.ge [sflag:s14], $0x1400  }
0x22: {  	[sflag:s14] =	ssyncset.done $0x0  }
0x23: {  	[sflag:s14] =	ssyncadd.s32 $0xFFFFEC00  }
0x24: {  	[tilespmem:s15], [sflag:$0x5] =	stream.linear.gather [hbm4b:s10+s4], $0x1400, $0x38;
	[tilespmem:$0x1E400] =	vst v63  }
.Ltmp2:
0x25: {  	_ = 	snop;
	(pc) =	sbr.rel .LBB2_2-.Ltmp2, $4  }
0x26: {  	_ =	swait.ge [sflag:s14], $0x1400  }
0x27: {  	[sflag:s14] =	ssyncset.done $0x0  }
0x28: {  	s21 =	simm.s32 $0x0;
	[sflag:s14] =	ssyncadd.s32 $0xFFFFEC00  }
0x29: {  	[tilespmem:s17], [sflag:$0x1] =	stream.indirect.gather [hbm4b:s2+s16], $0x80, s4, s16, $0xb8;
	[tilespmem:$0x1E400] =	vst v63  }
.LBB2_4:
0x2a: {  	s23 =	sadd.s32 $0x1, s20;
	s24 =	sshll.u32 s20, $0xE;
	p0 =	slt.u32 s22, $0x28  }
.Ltmp3:
0x2b: {  	s21 =	sshll.u32 s21, $0x7;
	_ =	swait.ge [sflag:s23], $0x4000;
	(pc) =	sbr.rel @!p0 .LBB2_5-.Ltmp3, $4  }
0x2c: {  	s31 =	sadd.s32 $0x3, s20;
	s21 =	sand.u32 $0x3FFFFF80, s21;
	[sflag:s23] =	ssyncset.done $0x0  }
0x2d: {  	s24 =	sor.u32 $0x2800, s24;
	s21 =	sadd.s32 $0x1400, s21;
	[sflag:s23] =	ssyncadd.s32 $0xFFFFC000  }
0x2e: {  	[spmem:s3] =	stream.indirect.scatter.add.f32 [tilespmem:s24], [sflag:s31], $0x80, s21, s16, $0xb8;
	[tilespmem:$0x1E400] =	vst v63  }
0x2f: {  	s21 =	smov.u32 s22  }
.LBB2_2:
0x30: {  	p0 =	seq.s32 s21, $0x0  }
0x31: {  	p1 =	seq.s32 @!p0 s21, $0x27  }
0x32: {  	s20 =	sand.u32 $0x1, s21;
	p1 =	por p0, !p1  }
.Ltmp4:
0x33: {  	s23 =	sxor.u32 $0x1, s20;
	(pc) =	sbr.rel @!p1 .LBB2_4-.Ltmp4, $4  }
0x34: {  	s22 =	sadd.s32 @!p0 $0x3, s23  }
0x35: {  	_ =	swait.ge @!p0 [sflag:s22], $0x4000  }
0x36: {  	[sflag:s22] =	ssyncset.done @!p0 $0x0  }
0x37: {  	[sflag:s22] =	ssyncadd.s32 @!p0 $0xFFFFC000;
	s22 =	simm.s32 @!p0 $0x28  }
.Ltmp5:
0x38: {  	s22 =	sadd.s32 @!p0 $0x1, s21;
	(pc) =	sbr.rel .LBB2_4-.Ltmp5, $4  }
0x39: {  	s22 =	simm.s32 @p0 $0x1  }
0x3a: {  	s24 =	sshll.u32 s23, $0xE;
	s25 =	sshll.u32 s22, $0x7  }
0x3b: {  	s31 =	sadd.s32 $0x1, s23;
	s24 =	sor.u32 $0x2800, s24;
	s25 =	sand.u32 $0x3FFFFF80, s25  }
0x3c: {  	[tilespmem:s24], [sflag:s31] =	stream.indirect.gather [hbm4b:s2+s16], $0x80, s25, s16, $0xb8;
	[tilespmem:$0x1E400] =	vst v63  }
.LBB2_5:
0x3d: {  	_ =	swait.ge [sflag:s18], $0x4000  }
0x3e: {  	[sflag:s18] =	ssyncset.done $0x0  }
0x3f: {  	s20 =	simm.s32 $0x0;
	[sflag:s18] =	ssyncadd.s32 $0xFFFFC000  }
0x40: {  	[tilespmem:s20], [sflag:$0x5] =	stream.linear.gather [hbm4b:s11+s20], $0x1400, $0x38;
	[tilespmem:$0x1E400] =	vst v63  }
0x41: {  	_ =	swait.ge [sflag:s14], $0x1400  }
0x42: {  	[sflag:s14] =	ssyncset.done $0x0  }
0x43: {  	[sflag:s14] =	ssyncadd.s32 $0xFFFFEC00  }
0x44: {  	[tilespmem:s15], [sflag:$0x5] =	stream.linear.gather [hbm4b:s12+s20], $0x1400, $0x38;
	[tilespmem:$0x1E400] =	vst v63  }
.Ltmp6:
0x45: {  	_ = 	snop;
	(pc) =	sbr.rel .LBB2_6-.Ltmp6, $4  }
0x46: {  	_ =	swait.ge [sflag:s14], $0x1400  }
0x47: {  	[sflag:s14] =	ssyncset.done $0x0  }
0x48: {  	[sflag:s14] =	ssyncadd.s32 $0xFFFFEC00  }
0x49: {  	[tilespmem:s17], [sflag:$0x1] =	stream.indirect.gather [hbm4b:s2+s16], $0x80, s20, s16, $0xb8;
	[tilespmem:$0x1E400] =	vst v63  }
.LBB2_8:
0x4a: {  	s23 =	sadd.s32 $0x1, s21;
	s24 =	sshll.u32 s21, $0xE;
	p0 =	slt.u32 s22, $0x28  }
.Ltmp7:
0x4b: {  	s20 =	sshll.u32 s20, $0x7;
	_ =	swait.ge [sflag:s23], $0x4000;
	(pc) =	sbr.rel @!p0 .LBB2_9-.Ltmp7, $4  }
0x4c: {  	s31 =	sadd.s32 $0x3, s21;
	s20 =	sand.u32 $0x3FFFFF80, s20;
	[sflag:s23] =	ssyncset.done $0x0  }
0x4d: {  	s24 =	sor.u32 $0x2800, s24;
	s20 =	sadd.s32 $0x1400, s20;
	[sflag:s23] =	ssyncadd.s32 $0xFFFFC000  }
0x4e: {  	[spmem:s3] =	stream.indirect.scatter.add.f32 [tilespmem:s24], [sflag:s31], $0x80, s20, s16, $0xb8;
	[tilespmem:$0x1E400] =	vst v63  }
0x4f: {  	s20 =	smov.u32 s22  }
.LBB2_6:
0x50: {  	p0 =	seq.s32 s20, $0x0  }
0x51: {  	p1 =	seq.s32 @!p0 s20, $0x27  }
0x52: {  	s21 =	sand.u32 $0x1, s20;
	p1 =	por p0, !p1  }
.Ltmp8:
0x53: {  	s23 =	sxor.u32 $0x1, s21;
	(pc) =	sbr.rel @!p1 .LBB2_8-.Ltmp8, $4  }
0x54: {  	s22 =	sadd.s32 @!p0 $0x3, s23  }
0x55: {  	_ =	swait.ge @!p0 [sflag:s22], $0x4000  }
0x56: {  	[sflag:s22] =	ssyncset.done @!p0 $0x0  }
0x57: {  	[sflag:s22] =	ssyncadd.s32 @!p0 $0xFFFFC000;
	s22 =	simm.s32 @!p0 $0x28  }
.Ltmp9:
0x58: {  	s22 =	sadd.s32 @!p0 $0x1, s20;
	(pc) =	sbr.rel .LBB2_8-.Ltmp9, $4  }
0x59: {  	s22 =	simm.s32 @p0 $0x1  }
0x5a: {  	s24 =	sshll.u32 s23, $0xE;
	s25 =	sshll.u32 s22, $0x7  }
0x5b: {  	s31 =	sadd.s32 $0x1, s23;
	s24 =	sor.u32 $0x2800, s24;
	s25 =	sand.u32 $0x3FFFFF80, s25  }
0x5c: {  	[tilespmem:s24], [sflag:s31] =	stream.indirect.gather [hbm4b:s2+s16], $0x80, s25, s16, $0xb8;
	[tilespmem:$0x1E400] =	vst v63  }
.LBB2_10:
0x5d: {  	_ =	sfence.sel $0x180000  }
0x5e: {  	[bflag:$0x0] =	sbarrier.arrive $0xFFFF  }
0x5f: {  	p0 =	sne.s32 s1, $0x0;
	_ =	strace $0x90000047  }
0x60: {  	s0 =	sadd.s32 @!p0 $0x100000, s0;
	[bflag:$0x2] =	sbarrier.arrive $0xFFFF  }
0x61: {  	[sflag:s0] =	ssyncadd.tile.s32 @!p0 $0x1;
	_ =	shalt  }
.Lfunc_end2:
_tile_overlayer_lowered:
.L_overlay_start_2:
0x62: {  	(tag) =	ssettag $0x2  }
0x63: {  	s0 =	rddreg [dreg:$0x0];
	s2 =	stileid.u32  }
0x64: {  	s1 =	rddreg [dreg:$0x1];
	p0 =	sne.s32 s2, $0x0  }
0x65: {  	s3 =	rddreg [dreg:$0x2];
	[bflag:$0x3] =	sbarrier.arrive $0xFFFF;
	s2 =	simm.s32 @!p0 $0x1C05  }
0x66: {  	[timem:s3], [sflag:s2] =	dma.local @!p0 [hbm:s0], s1  }
0x67: {  	s0 =	simm.s32 @!p0 $0x5  }
0x68: {  	_ =	swait.ge @!p0 [sflag:s0], s1  }
0x69: {  	s1 =	ssub.s32 @!p0 $0x0, s1;
	[sflag:s0] =	ssyncset.done @!p0 $0x0  }
0x6a: {  	[sflag:s0] =	ssyncadd.s32 @!p0 s1  }
0x6b: {  	[bflag:$0x3] =	sbarrier.arrive $0xFFFF  }
0x6c: {  	_ =	shalt  }

</sc_bundles>
